<compile_context>
chip_gen: v7x
topology: tpu7x:2x2x1
jax: 0.10.2.dev20260603
libtpu: 0.0.44.dev20260713+nightly
codegen_flags: <defaults>
</compile_context>

<pallas_src>
import dataclasses
import functools

import jax
import jax.numpy as jnp
from jax import lax
from jax.experimental import pallas as pl
from jax.experimental.pallas import tpu as pltpu
from jax.experimental.pallas import tpu_sc as plsc

B, N, K = 256, 65536, 10
NH = N // 2
NB = 8192
GRID_H = NH // NB

NUM_CORES = 2
NUM_SUBCORES = 16
NUM_WORKERS = NUM_CORES * NUM_SUBCORES
CH = NH // NUM_WORKERS
LANES = 16




def _sc_prep_body(rates_t_hbm, aux_hbm, r_v, w_v, idx_v, sem):
    wid = lax.axis_index("s") * NUM_CORES + lax.axis_index("c")
    base = wid * CH
    pltpu.async_copy(rates_t_hbm.at[:, pl.ds(NH + base, CH)], r_v, sem).wait()

    @plsc.parallel_loop(0, CH, step=LANES, unroll=2)
    def _(i16):
        v = r_v[0, pl.ds(i16, LANES)]
        l1 = jnp.abs(v)
        m = v
        idx = jnp.zeros((LANES,), jnp.float32)
        for k in range(1, K):
            vk = r_v[k, pl.ds(i16, LANES)]
            l1 = l1 + jnp.abs(vk)
            gt = vk > m
            m = jnp.where(gt, vk, m)
            idx = jnp.where(gt, float(k), idx)
        w = m / jnp.maximum(l1, 1e-12)
        w_v[pl.ds(i16, LANES)] = w
        idx_v[pl.ds(i16, LANES)] = idx

    pltpu.async_copy(w_v, aux_hbm.at[0, pl.ds(base, CH)], sem).wait()
    pltpu.async_copy(idx_v, aux_hbm.at[1, pl.ds(base, CH)], sem).wait()


def _sc_prep(rates_t):
    mesh = plsc.VectorSubcoreMesh(core_axis_name="c", subcore_axis_name="s")
    return pl.kernel(
        _sc_prep_body,
        out_type=jax.ShapeDtypeStruct((2, NH), jnp.float32),
        mesh=mesh,
        scratch_types=[
            pltpu.VMEM((K, CH), jnp.float32),
            pltpu.VMEM((CH,), jnp.float32),
            pltpu.VMEM((CH,), jnp.float32),
            pltpu.SemaphoreType.DMA,
        ],
    )(rates_t)




def _tc_a_kernel(inputs_ref, rates_t_ref, acc_ref, occ_ref):
    i = pl.program_id(0)

    rt = rates_t_ref[...]
    l1 = jnp.maximum(jnp.sum(jnp.abs(rt), axis=0, keepdims=True), 1e-12)
    m = jnp.max(rt, axis=0, keepdims=True)
    sub = lax.broadcasted_iota(jnp.int32, rt.shape, 0)
    idx = jnp.min(jnp.where(rt == m, sub, K), axis=0, keepdims=True)
    onehot = sub == idx
    s_t = jnp.where(onehot, m / l1, 0.0)

    part = lax.dot_general(
        inputs_ref[...], s_t,
        dimension_numbers=(((1,), (1,)), ((), ())),
        preferred_element_type=jnp.float32,
    )
    occ_part = jnp.sum(onehot.astype(jnp.float32), axis=1, keepdims=True)

    @pl.when(i == 0)
    def _():
        acc_ref[...] = jnp.zeros_like(acc_ref)
        occ_ref[...] = jnp.zeros_like(occ_ref)

    acc_ref[...] += part
    occ_ref[...] += occ_part




def _tc_b_kernel(inputs_ref, aux_ref, acc_in_ref, occ_in_ref, out_ref,
                 acc_ref, occ_ref):
    i = pl.program_id(0)

    wrow = aux_ref[0:1, :]
    irow = aux_ref[1:2, :]
    sub = lax.broadcasted_iota(jnp.int32, (K, NB), 0).astype(jnp.float32)
    onehot = sub == irow
    s_t = jnp.where(onehot, wrow, 0.0)

    part = lax.dot_general(
        inputs_ref[...], s_t,
        dimension_numbers=(((1,), (1,)), ((), ())),
        preferred_element_type=jnp.float32,
    )
    occ_part = jnp.sum(onehot.astype(jnp.float32), axis=1, keepdims=True)

    @pl.when(i == 0)
    def _():
        acc_ref[...] = acc_in_ref[...]
        occ_ref[...] = occ_in_ref[...]

    acc_ref[...] += part
    occ_ref[...] += occ_part

    @pl.when(i == GRID_H - 1)
    def _():
        occ = occ_ref[...].reshape(1, K)
        q = acc_ref[...] / occ
        q = jnp.where(jnp.isnan(q), 0.0, q)
        q = jnp.where(q == jnp.inf, 0.0, q)
        q = jnp.where(q == -jnp.inf, jnp.finfo(jnp.float32).min, q)
        out_ref[...] = q


@jax.jit
def kernel(inputs, rates):
    rates_t = rates.T
    aux = _sc_prep(rates_t)

    acc_a, occ_a = pl.pallas_call(
        _tc_a_kernel,
        grid=(GRID_H,),
        in_specs=[
            pl.BlockSpec((B, NB), lambda i: (0, i)),
            pl.BlockSpec((K, NB), lambda i: (0, i)),
        ],
        out_specs=[
            pl.BlockSpec((B, K), lambda i: (0, 0)),
            pl.BlockSpec((K, 1), lambda i: (0, 0)),
        ],
        out_shape=[
            jax.ShapeDtypeStruct((B, K), jnp.float32),
            jax.ShapeDtypeStruct((K, 1), jnp.float32),
        ],
        compiler_params=pltpu.CompilerParams(
            dimension_semantics=("arbitrary",),
        ),
    )(inputs, rates_t)

    return pl.pallas_call(
        _tc_b_kernel,
        grid=(GRID_H,),
        in_specs=[
            pl.BlockSpec((B, NB), lambda i: (0, i + GRID_H)),
            pl.BlockSpec((2, NB), lambda i: (0, i)),
            pl.BlockSpec((B, K), lambda i: (0, 0)),
            pl.BlockSpec((K, 1), lambda i: (0, 0)),
        ],
        out_specs=pl.BlockSpec((B, K), lambda i: (0, 0)),
        out_shape=jax.ShapeDtypeStruct((B, K), jnp.float32),
        scratch_shapes=[
            pltpu.VMEM((B, K), jnp.float32),
            pltpu.VMEM((K, 1), jnp.float32),
        ],
        compiler_params=pltpu.CompilerParams(
            dimension_semantics=("arbitrary",),
        ),
    )(inputs, aux, acc_a, occ_a)

# --- scband reference (transcript-rebuilt; emitter-appended) ---
"""Pipeline reference for scband-max-rate-classifier-75445395522164 (READ-ONLY COPY).

The authoritative reference and input builder live on the scoring server;
editing this copy changes nothing except your own understanding.
"""

import jax, jax.numpy as jnp
import numpy as np


def setup_inputs(seed: int = 0) -> dict:
    key = jax.random.key(seed)
    k1, k2 = jax.random.split(key)
    B, N, K = 256, 65536, 10
    inputs = jax.random.uniform(k1, (B, N), dtype=jnp.float32)
    # learned per-neuron per-class spike rates (parameter rates_); initialized
    # randomly (nonzero) so proportions/assignments/occurances are meaningful
    rates = jax.random.uniform(k2, (N, K), dtype=jnp.float32)
    return {"inputs": inputs, "rates": rates}


def reference(inputs, rates):
    # MaxRateClassifier.infer(inputs, logits=True) with proportional=True
    K = rates.shape[-1]
    flat_rates = rates.reshape(-1, K)  # (N, K)
    # proportions = F.normalize(rates, p=1, dim=-1)
    l1 = jnp.maximum(jnp.sum(jnp.abs(flat_rates), axis=-1, keepdims=True), 1e-12)
    proportions = flat_rates / l1
    # assignments = argmax(proportions, dim=-1)
    assignments = jnp.argmax(proportions, axis=-1)  # (N,) int
    # occurances = bincount(assignments, minlength=K)
    occurances = jnp.bincount(assignments, length=K)  # (K,) int
    # assocs = one_hot(assignments, K) * proportions
    assocs = jax.nn.one_hot(assignments, K, dtype=proportions.dtype) * proportions  # (N, K)
    # ylogits = (inputs_flat @ assocs) / occurances, nan_to_num(nan=0, posinf=0)
    inputs_flat = inputs.reshape(inputs.shape[0], -1)  # (B, N)
    ylogits = jnp.matmul(inputs_flat, assocs) / occurances.astype(inputs.dtype)
    ylogits = jnp.nan_to_num(ylogits, nan=0.0, posinf=0.0)
    return ylogits

if __name__ == "__main__":
    import jax
    _d = setup_inputs()
    print(jax.jit(kernel)(*tuple(_d.values())))

</pallas_src>

<mosaic_0001>
#map = affine_map<(d0, d1) -> (0, 0)>
module attributes {stable_mosaic.version = 14 : i64} {
  func.func @_sc_prep_body(%arg0: i32, %arg1: i32, %arg2: memref<10x65536xf32, #tpu.memory_space<hbm>>, %arg3: memref<2x32768xf32, #tpu.memory_space<hbm>>, %arg4: memref<10x1024xf32, #tpu.memory_space<vmem>>, %arg5: memref<1024xf32, #tpu.memory_space<vmem>>, %arg6: memref<1024xf32, #tpu.memory_space<vmem>>, %arg7: memref<!tpu.dma_semaphore, #tpu.memory_space<semaphore_mem>>) attributes {dimension_semantics = [#tpu.dimension_semantics<core_parallel>, #tpu.dimension_semantics<subcore_parallel>], iteration_bounds = array<i64: 2, 16>, scalar_prefetch = 0 : i64, scratch_operands = 4 : i64, tpu.core_type = #tpu.core_type<sc_vector_subcore>, window_params = [{transform_indices = #map}, {transform_indices = #map}]} {
    %mul3A = arith.constant 2 : i32
    %mul3A_0 = arith.muli %arg1, %mul3A : i32
    %add3A = arith.addi %mul3A_0, %arg0 : i32
    %mul3A_1 = arith.constant 1024 : i32
    %mul3A_2 = arith.muli %add3A, %mul3A_1 : i32
    %add3A_3 = arith.constant 32768 : i32
    %add3A_4 = arith.addi %add3A_3, %mul3A_2 : i32
    %dma_start3A = arith.constant 0 : i32
    %dma_start3A_5 = tpu.memref_slice %arg2[%dma_start3A, %add3A_4] : memref<10x65536xf32, #tpu.memory_space<hbm>> -> memref<10x1024xf32, #tpu.memory_space<hbm>>
    %dma_start3A_6 = arith.constant 0 : i32
    %dma_start3A_7 = tpu.memref_slice %arg2[%dma_start3A_6, %add3A_4] : memref<10x65536xf32, #tpu.memory_space<hbm>> -> memref<10x1024xf32, #tpu.memory_space<hbm>>
    tpu.enqueue_dma source(%dma_start3A_7 : memref<10x1024xf32, #tpu.memory_space<hbm>>) target(%arg4 : memref<10x1024xf32, #tpu.memory_space<vmem>>) target_semaphore(%arg7 : memref<!tpu.dma_semaphore, #tpu.memory_space<semaphore_mem>>)
    %dma_wait3A = arith.constant 0 : i32
    %dma_wait3A_8 = tpu.memref_slice %arg2[%dma_wait3A, %add3A_4] : memref<10x65536xf32, #tpu.memory_space<hbm>> -> memref<10x1024xf32, #tpu.memory_space<hbm>>
    %dma_wait3A_9 = arith.constant 0 : i32
    %dma_wait3A_10 = tpu.memref_slice %arg2[%dma_wait3A_9, %add3A_4] : memref<10x65536xf32, #tpu.memory_space<hbm>> -> memref<10x1024xf32, #tpu.memory_space<hbm>>
    tpu.wait_dma2 semaphore(%arg7 : memref<!tpu.dma_semaphore, #tpu.memory_space<semaphore_mem>>) src(%dma_wait3A_10 : memref<10x1024xf32, #tpu.memory_space<hbm>>) dst(%arg4 : memref<10x1024xf32, #tpu.memory_space<vmem>>)
    %parallel_loop3A = arith.constant 0 : i32
    %parallel_loop3A_11 = arith.constant 1024 : i32
    %parallel_loop3A_12 = arith.constant 16 : i32
    scf.for %parallel_loop3A_33 = %parallel_loop3A to %parallel_loop3A_11 step %parallel_loop3A_12  : i32 {
      %parallel_loop3A_34 = arith.constant 0 : i32
      %parallel_loop3A_35 = arith.index_cast %parallel_loop3A_34 : i32 to index
      %parallel_loop3A_36 = arith.index_cast %parallel_loop3A_33 : i32 to index
      %parallel_loop3A_37 = tpu.vector_load %arg4[%parallel_loop3A_35, %parallel_loop3A_36] {strides = array<i32>} : memref<10x1024xf32, #tpu.memory_space<vmem>>, vector<1x16xf32>,
      %parallel_loop3A_38 = vector.shape_cast %parallel_loop3A_37 : vector<1x16xf32> to vector<16xf32>
      %parallel_loop3A_39 = math.absf %parallel_loop3A_38 : vector<16xf32>
      %parallel_loop3A_40 = arith.constant 0.000000e+00 : f32
      %parallel_loop3A_41 = vector.broadcast %parallel_loop3A_40 : f32 to vector<16xf32>
      %parallel_loop3A_42 = arith.constant 1 : i32
      %parallel_loop3A_43 = arith.index_cast %parallel_loop3A_42 : i32 to index
      %parallel_loop3A_44 = arith.index_cast %parallel_loop3A_33 : i32 to index
      %parallel_loop3A_45 = tpu.vector_load %arg4[%parallel_loop3A_43, %parallel_loop3A_44] {strides = array<i32>} : memref<10x1024xf32, #tpu.memory_space<vmem>>, vector<1x16xf32>,
      %parallel_loop3A_46 = vector.shape_cast %parallel_loop3A_45 : vector<1x16xf32> to vector<16xf32>
      %parallel_loop3A_47 = math.absf %parallel_loop3A_46 : vector<16xf32>
      %parallel_loop3A_48 = arith.addf %parallel_loop3A_39, %parallel_loop3A_47 : vector<16xf32>
      %parallel_loop3A_49 = arith.cmpf ogt, %parallel_loop3A_46, %parallel_loop3A_38 : vector<16xf32>
      %parallel_loop3A_50 = arith.select %parallel_loop3A_49, %parallel_loop3A_46, %parallel_loop3A_38 : vector<16xi1>, vector<16xf32>
      %parallel_loop3A_51 = arith.constant 1.000000e+00 : f32
      %parallel_loop3A_52 = vector.broadcast %parallel_loop3A_51 : f32 to vector<16xf32>
      %parallel_loop3A_53 = arith.select %parallel_loop3A_49, %parallel_loop3A_52, %parallel_loop3A_41 : vector<16xi1>, vector<16xf32>
      %parallel_loop3A_54 = arith.constant 2 : i32
      %parallel_loop3A_55 = arith.index_cast %parallel_loop3A_54 : i32 to index
      %parallel_loop3A_56 = arith.index_cast %parallel_loop3A_33 : i32 to index
      %parallel_loop3A_57 = tpu.vector_load %arg4[%parallel_loop3A_55, %parallel_loop3A_56] {strides = array<i32>} : memref<10x1024xf32, #tpu.memory_space<vmem>>, vector<1x16xf32>,
      %parallel_loop3A_58 = vector.shape_cast %parallel_loop3A_57 : vector<1x16xf32> to vector<16xf32>
      %parallel_loop3A_59 = math.absf %parallel_loop3A_58 : vector<16xf32>
      %parallel_loop3A_60 = arith.addf %parallel_loop3A_48, %parallel_loop3A_59 : vector<16xf32>
      %parallel_loop3A_61 = arith.cmpf ogt, %parallel_loop3A_58, %parallel_loop3A_50 : vector<16xf32>
      %parallel_loop3A_62 = arith.select %parallel_loop3A_61, %parallel_loop3A_58, %parallel_loop3A_50 : vector<16xi1>, vector<16xf32>
      %parallel_loop3A_63 = arith.constant 2.000000e+00 : f32
      %parallel_loop3A_64 = vector.broadcast %parallel_loop3A_63 : f32 to vector<16xf32>
      %parallel_loop3A_65 = arith.select %parallel_loop3A_61, %parallel_loop3A_64, %parallel_loop3A_53 : vector<16xi1>, vector<16xf32>
      %parallel_loop3A_66 = arith.constant 3 : i32
      %parallel_loop3A_67 = arith.index_cast %parallel_loop3A_66 : i32 to index
      %parallel_loop3A_68 = arith.index_cast %parallel_loop3A_33 : i32 to index
      %parallel_loop3A_69 = tpu.vector_load %arg4[%parallel_loop3A_67, %parallel_loop3A_68] {strides = array<i32>} : memref<10x1024xf32, #tpu.memory_space<vmem>>, vector<1x16xf32>,
      %parallel_loop3A_70 = vector.shape_cast %parallel_loop3A_69 : vector<1x16xf32> to vector<16xf32>
      %parallel_loop3A_71 = math.absf %parallel_loop3A_70 : vector<16xf32>
      %parallel_loop3A_72 = arith.addf %parallel_loop3A_60, %parallel_loop3A_71 : vector<16xf32>
      %parallel_loop3A_73 = arith.cmpf ogt, %parallel_loop3A_70, %parallel_loop3A_62 : vector<16xf32>
      %parallel_loop3A_74 = arith.select %parallel_loop3A_73, %parallel_loop3A_70, %parallel_loop3A_62 : vector<16xi1>, vector<16xf32>
      %parallel_loop3A_75 = arith.constant 3.000000e+00 : f32
      %parallel_loop3A_76 = vector.broadcast %parallel_loop3A_75 : f32 to vector<16xf32>
      %parallel_loop3A_77 = arith.select %parallel_loop3A_73, %parallel_loop3A_76, %parallel_loop3A_65 : vector<16xi1>, vector<16xf32>
      %parallel_loop3A_78 = arith.constant 4 : i32
      %parallel_loop3A_79 = arith.index_cast %parallel_loop3A_78 : i32 to index
      %parallel_loop3A_80 = arith.index_cast %parallel_loop3A_33 : i32 to index
      %parallel_loop3A_81 = tpu.vector_load %arg4[%parallel_loop3A_79, %parallel_loop3A_80] {strides = array<i32>} : memref<10x1024xf32, #tpu.memory_space<vmem>>, vector<1x16xf32>,
      %parallel_loop3A_82 = vector.shape_cast %parallel_loop3A_81 : vector<1x16xf32> to vector<16xf32>
      %parallel_loop3A_83 = math.absf %parallel_loop3A_82 : vector<16xf32>
      %parallel_loop3A_84 = arith.addf %parallel_loop3A_72, %parallel_loop3A_83 : vector<16xf32>
      %parallel_loop3A_85 = arith.cmpf ogt, %parallel_loop3A_82, %parallel_loop3A_74 : vector<16xf32>
      %parallel_loop3A_86 = arith.select %parallel_loop3A_85, %parallel_loop3A_82, %parallel_loop3A_74 : vector<16xi1>, vector<16xf32>
      %parallel_loop3A_87 = arith.constant 4.000000e+00 : f32
      %parallel_loop3A_88 = vector.broadcast %parallel_loop3A_87 : f32 to vector<16xf32>
      %parallel_loop3A_89 = arith.select %parallel_loop3A_85, %parallel_loop3A_88, %parallel_loop3A_77 : vector<16xi1>, vector<16xf32>
      %parallel_loop3A_90 = arith.constant 5 : i32
      %parallel_loop3A_91 = arith.index_cast %parallel_loop3A_90 : i32 to index
      %parallel_loop3A_92 = arith.index_cast %parallel_loop3A_33 : i32 to index
      %parallel_loop3A_93 = tpu.vector_load %arg4[%parallel_loop3A_91, %parallel_loop3A_92] {strides = array<i32>} : memref<10x1024xf32, #tpu.memory_space<vmem>>, vector<1x16xf32>,
      %parallel_loop3A_94 = vector.shape_cast %parallel_loop3A_93 : vector<1x16xf32> to vector<16xf32>
      %parallel_loop3A_95 = math.absf %parallel_loop3A_94 : vector<16xf32>
      %parallel_loop3A_96 = arith.addf %parallel_loop3A_84, %parallel_loop3A_95 : vector<16xf32>
      %parallel_loop3A_97 = arith.cmpf ogt, %parallel_loop3A_94, %parallel_loop3A_86 : vector<16xf32>
      %parallel_loop3A_98 = arith.select %parallel_loop3A_97, %parallel_loop3A_94, %parallel_loop3A_86 : vector<16xi1>, vector<16xf32>
      %parallel_loop3A_99 = arith.constant 5.000000e+00 : f32
      %parallel_loop3A_100 = vector.broadcast %parallel_loop3A_99 : f32 to vector<16xf32>
      %parallel_loop3A_101 = arith.select %parallel_loop3A_97, %parallel_loop3A_100, %parallel_loop3A_89 : vector<16xi1>, vector<16xf32>
      %parallel_loop3A_102 = arith.constant 6 : i32
      %parallel_loop3A_103 = arith.index_cast %parallel_loop3A_102 : i32 to index
      %parallel_loop3A_104 = arith.index_cast %parallel_loop3A_33 : i32 to index
      %parallel_loop3A_105 = tpu.vector_load %arg4[%parallel_loop3A_103, %parallel_loop3A_104] {strides = array<i32>} : memref<10x1024xf32, #tpu.memory_space<vmem>>, vector<1x16xf32>,
      %parallel_loop3A_106 = vector.shape_cast %parallel_loop3A_105 : vector<1x16xf32> to vector<16xf32>
      %parallel_loop3A_107 = math.absf %parallel_loop3A_106 : vector<16xf32>
      %parallel_loop3A_108 = arith.addf %parallel_loop3A_96, %parallel_loop3A_107 : vector<16xf32>
      %parallel_loop3A_109 = arith.cmpf ogt, %parallel_loop3A_106, %parallel_loop3A_98 : vector<16xf32>
      %parallel_loop3A_110 = arith.select %parallel_loop3A_109, %parallel_loop3A_106, %parallel_loop3A_98 : vector<16xi1>, vector<16xf32>
      %parallel_loop3A_111 = arith.constant 6.000000e+00 : f32
      %parallel_loop3A_112 = vector.broadcast %parallel_loop3A_111 : f32 to vector<16xf32>
      %parallel_loop3A_113 = arith.select %parallel_loop3A_109, %parallel_loop3A_112, %parallel_loop3A_101 : vector<16xi1>, vector<16xf32>
      %parallel_loop3A_114 = arith.constant 7 : i32
      %parallel_loop3A_115 = arith.index_cast %parallel_loop3A_114 : i32 to index
      %parallel_loop3A_116 = arith.index_cast %parallel_loop3A_33 : i32 to index
      %parallel_loop3A_117 = tpu.vector_load %arg4[%parallel_loop3A_115, %parallel_loop3A_116] {strides = array<i32>} : memref<10x1024xf32, #tpu.memory_space<vmem>>, vector<1x16xf32>,
      %parallel_loop3A_118 = vector.shape_cast %parallel_loop3A_117 : vector<1x16xf32> to vector<16xf32>
      %parallel_loop3A_119 = math.absf %parallel_loop3A_118 : vector<16xf32>
      %parallel_loop3A_120 = arith.addf %parallel_loop3A_108, %parallel_loop3A_119 : vector<16xf32>
      %parallel_loop3A_121 = arith.cmpf ogt, %parallel_loop3A_118, %parallel_loop3A_110 : vector<16xf32>
      %parallel_loop3A_122 = arith.select %parallel_loop3A_121, %parallel_loop3A_118, %parallel_loop3A_110 : vector<16xi1>, vector<16xf32>
      %parallel_loop3A_123 = arith.constant 7.000000e+00 : f32
      %parallel_loop3A_124 = vector.broadcast %parallel_loop3A_123 : f32 to vector<16xf32>
      %parallel_loop3A_125 = arith.select %parallel_loop3A_121, %parallel_loop3A_124, %parallel_loop3A_113 : vector<16xi1>, vector<16xf32>
      %parallel_loop3A_126 = arith.constant 8 : i32
      %parallel_loop3A_127 = arith.index_cast %parallel_loop3A_126 : i32 to index
      %parallel_loop3A_128 = arith.index_cast %parallel_loop3A_33 : i32 to index
      %parallel_loop3A_129 = tpu.vector_load %arg4[%parallel_loop3A_127, %parallel_loop3A_128] {strides = array<i32>} : memref<10x1024xf32, #tpu.memory_space<vmem>>, vector<1x16xf32>,
      %parallel_loop3A_130 = vector.shape_cast %parallel_loop3A_129 : vector<1x16xf32> to vector<16xf32>
      %parallel_loop3A_131 = math.absf %parallel_loop3A_130 : vector<16xf32>
      %parallel_loop3A_132 = arith.addf %parallel_loop3A_120, %parallel_loop3A_131 : vector<16xf32>
      %parallel_loop3A_133 = arith.cmpf ogt, %parallel_loop3A_130, %parallel_loop3A_122 : vector<16xf32>
      %parallel_loop3A_134 = arith.select %parallel_loop3A_133, %parallel_loop3A_130, %parallel_loop3A_122 : vector<16xi1>, vector<16xf32>
      %parallel_loop3A_135 = arith.constant 8.000000e+00 : f32
      %parallel_loop3A_136 = vector.broadcast %parallel_loop3A_135 : f32 to vector<16xf32>
      %parallel_loop3A_137 = arith.select %parallel_loop3A_133, %parallel_loop3A_136, %parallel_loop3A_125 : vector<16xi1>, vector<16xf32>
      %parallel_loop3A_138 = arith.constant 9 : i32
      %parallel_loop3A_139 = arith.index_cast %parallel_loop3A_138 : i32 to index
      %parallel_loop3A_140 = arith.index_cast %parallel_loop3A_33 : i32 to index
      %parallel_loop3A_141 = tpu.vector_load %arg4[%parallel_loop3A_139, %parallel_loop3A_140] {strides = array<i32>} : memref<10x1024xf32, #tpu.memory_space<vmem>>, vector<1x16xf32>,
      %parallel_loop3A_142 = vector.shape_cast %parallel_loop3A_141 : vector<1x16xf32> to vector<16xf32>
      %parallel_loop3A_143 = math.absf %parallel_loop3A_142 : vector<16xf32>
      %parallel_loop3A_144 = arith.addf %parallel_loop3A_132, %parallel_loop3A_143 : vector<16xf32>
      %parallel_loop3A_145 = arith.cmpf ogt, %parallel_loop3A_142, %parallel_loop3A_134 : vector<16xf32>
      %parallel_loop3A_146 = arith.select %parallel_loop3A_145, %parallel_loop3A_142, %parallel_loop3A_134 : vector<16xi1>, vector<16xf32>
      %parallel_loop3A_147 = arith.constant 9.000000e+00 : f32
      %parallel_loop3A_148 = vector.broadcast %parallel_loop3A_147 : f32 to vector<16xf32>
      %parallel_loop3A_149 = arith.select %parallel_loop3A_145, %parallel_loop3A_148, %parallel_loop3A_137 : vector<16xi1>, vector<16xf32>
      %parallel_loop3A_150 = arith.constant 9.99999996E-13 : f32
      %parallel_loop3A_151 = vector.broadcast %parallel_loop3A_150 : f32 to vector<16xf32>
      %parallel_loop3A_152 = arith.maximumf %parallel_loop3A_144, %parallel_loop3A_151 : vector<16xf32>
      %parallel_loop3A_153 = arith.divf %parallel_loop3A_146, %parallel_loop3A_152 : vector<16xf32>
      %parallel_loop3A_154 = arith.index_cast %parallel_loop3A_33 : i32 to index
      %parallel_loop3A_155 = tpu.vector_load %arg5[%parallel_loop3A_154] {strides = array<i32>} : memref<1024xf32, #tpu.memory_space<vmem>>, vector<16xf32>,
      %parallel_loop3A_156 = vector.shape_cast %parallel_loop3A_155 : vector<16xf32> to vector<16xf32>
      %parallel_loop3A_157 = vector.shape_cast %parallel_loop3A_153 : vector<16xf32> to vector<16xf32>
      tpu.vector_store %arg5[%parallel_loop3A_154], %parallel_loop3A_157 {strides = array<i32>} : memref<1024xf32, #tpu.memory_space<vmem>>, vector<16xf32>,
      %parallel_loop3A_158 = arith.index_cast %parallel_loop3A_33 : i32 to index
      %parallel_loop3A_159 = tpu.vector_load %arg6[%parallel_loop3A_158] {strides = array<i32>} : memref<1024xf32, #tpu.memory_space<vmem>>, vector<16xf32>,
      %parallel_loop3A_160 = vector.shape_cast %parallel_loop3A_159 : vector<16xf32> to vector<16xf32>
      %parallel_loop3A_161 = vector.shape_cast %parallel_loop3A_149 : vector<16xf32> to vector<16xf32>
      tpu.vector_store %arg6[%parallel_loop3A_158], %parallel_loop3A_161 {strides = array<i32>} : memref<1024xf32, #tpu.memory_space<vmem>>, vector<16xf32>,
    } {sc.loop_unroll_factor = 2 : i64, sc.parallel_access}
    %dma_start3A_13 = arith.constant 0 : i32
    %dma_start3A_14 = tpu.memref_slice %arg3[%dma_start3A_13, %mul3A_2] : memref<2x32768xf32, #tpu.memory_space<hbm>> -> memref<1x1024xf32, #tpu.memory_space<hbm>>
    %dma_start3A_15 = tpu.memref_squeeze %dma_start3A_14 : memref<1x1024xf32, #tpu.memory_space<hbm>> -> memref<1024xf32, #tpu.memory_space<hbm>>
    %dma_start3A_16 = tpu.memref_slice %arg3[%dma_start3A_13, %mul3A_2] : memref<2x32768xf32, #tpu.memory_space<hbm>> -> memref<1x1024xf32, #tpu.memory_space<hbm>>
    %dma_start3A_17 = tpu.memref_squeeze %dma_start3A_16 : memref<1x1024xf32, #tpu.memory_space<hbm>> -> memref<1024xf32, #tpu.memory_space<hbm>>
    tpu.enqueue_dma source(%arg5 : memref<1024xf32, #tpu.memory_space<vmem>>) target(%dma_start3A_17 : memref<1024xf32, #tpu.memory_space<hbm>>) target_semaphore(%arg7 : memref<!tpu.dma_semaphore, #tpu.memory_space<semaphore_mem>>)
    %dma_wait3A_18 = arith.constant 0 : i32
    %dma_wait3A_19 = tpu.memref_slice %arg3[%dma_wait3A_18, %mul3A_2] : memref<2x32768xf32, #tpu.memory_space<hbm>> -> memref<1x1024xf32, #tpu.memory_space<hbm>>
    %dma_wait3A_20 = tpu.memref_squeeze %dma_wait3A_19 : memref<1x1024xf32, #tpu.memory_space<hbm>> -> memref<1024xf32, #tpu.memory_space<hbm>>
    %dma_wait3A_21 = tpu.memref_slice %arg3[%dma_wait3A_18, %mul3A_2] : memref<2x32768xf32, #tpu.memory_space<hbm>> -> memref<1x1024xf32, #tpu.memory_space<hbm>>
    %dma_wait3A_22 = tpu.memref_squeeze %dma_wait3A_21 : memref<1x1024xf32, #tpu.memory_space<hbm>> -> memref<1024xf32, #tpu.memory_space<hbm>>
    tpu.wait_dma2 semaphore(%arg7 : memref<!tpu.dma_semaphore, #tpu.memory_space<semaphore_mem>>) src(%arg5 : memref<1024xf32, #tpu.memory_space<vmem>>) dst(%dma_wait3A_22 : memref<1024xf32, #tpu.memory_space<hbm>>)
    %dma_start3A_23 = arith.constant 1 : i32
    %dma_start3A_24 = tpu.memref_slice %arg3[%dma_start3A_23, %mul3A_2] : memref<2x32768xf32, #tpu.memory_space<hbm>> -> memref<1x1024xf32, #tpu.memory_space<hbm>>
    %dma_start3A_25 = tpu.memref_squeeze %dma_start3A_24 : memref<1x1024xf32, #tpu.memory_space<hbm>> -> memref<1024xf32, #tpu.memory_space<hbm>>
    %dma_start3A_26 = tpu.memref_slice %arg3[%dma_start3A_23, %mul3A_2] : memref<2x32768xf32, #tpu.memory_space<hbm>> -> memref<1x1024xf32, #tpu.memory_space<hbm>>
    %dma_start3A_27 = tpu.memref_squeeze %dma_start3A_26 : memref<1x1024xf32, #tpu.memory_space<hbm>> -> memref<1024xf32, #tpu.memory_space<hbm>>
    tpu.enqueue_dma source(%arg6 : memref<1024xf32, #tpu.memory_space<vmem>>) target(%dma_start3A_27 : memref<1024xf32, #tpu.memory_space<hbm>>) target_semaphore(%arg7 : memref<!tpu.dma_semaphore, #tpu.memory_space<semaphore_mem>>)
    %dma_wait3A_28 = arith.constant 1 : i32
    %dma_wait3A_29 = tpu.memref_slice %arg3[%dma_wait3A_28, %mul3A_2] : memref<2x32768xf32, #tpu.memory_space<hbm>> -> memref<1x1024xf32, #tpu.memory_space<hbm>>
    %dma_wait3A_30 = tpu.memref_squeeze %dma_wait3A_29 : memref<1x1024xf32, #tpu.memory_space<hbm>> -> memref<1024xf32, #tpu.memory_space<hbm>>
    %dma_wait3A_31 = tpu.memref_slice %arg3[%dma_wait3A_28, %mul3A_2] : memref<2x32768xf32, #tpu.memory_space<hbm>> -> memref<1x1024xf32, #tpu.memory_space<hbm>>
    %dma_wait3A_32 = tpu.memref_squeeze %dma_wait3A_31 : memref<1x1024xf32, #tpu.memory_space<hbm>> -> memref<1024xf32, #tpu.memory_space<hbm>>
    tpu.wait_dma2 semaphore(%arg7 : memref<!tpu.dma_semaphore, #tpu.memory_space<semaphore_mem>>) src(%arg6 : memref<1024xf32, #tpu.memory_space<vmem>>) dst(%dma_wait3A_32 : memref<1024xf32, #tpu.memory_space<hbm>>)
    return
  }
}

module attributes {stable_mosaic.version = 14 : i64} {
  func.func @_tc_b_kernel(%arg0: i32, %arg1: memref<256x8192xf32, #tpu.memory_space<vmem>>, %arg2: memref<2x8192xf32, #tpu.memory_space<vmem>>, %arg3: memref<256x10xf32, #tpu.memory_space<vmem>>, %arg4: memref<10x1xf32, #tpu.memory_space<vmem>>, %arg5: memref<256x10xf32, #tpu.memory_space<vmem>>, %arg6: memref<256x10xf32, #tpu.memory_space<vmem>>, %arg7: memref<10x1xf32, #tpu.memory_space<vmem>>) attributes {dimension_semantics = [#tpu.dimension_semantics<arbitrary>], iteration_bounds = array<i64: 4>, scalar_prefetch = 0 : i64, scratch_operands = 2 : i64, tpu.core_type = #tpu.core_type<tc>, window_params = [{transform_indices = @transform_0, window_bounds = array<i64: 256, 8192>}, {transform_indices = @transform_1, window_bounds = array<i64: 2, 8192>}, {pipeline_mode = #tpu.pipeline_mode<synchronous>, transform_indices = @transform_2, window_bounds = array<i64: 256, 10>}, {pipeline_mode = #tpu.pipeline_mode<synchronous>, transform_indices = @transform_3, window_bounds = array<i64: 10, 1>}, {pipeline_mode = #tpu.pipeline_mode<synchronous>, transform_indices = @transform_4, window_bounds = array<i64: 256, 10>}]} {
    %get3A = arith.constant 0 : index
    %get3A_0 = arith.constant 0 : index
    %get3A_1 = vector.load %arg2[%get3A, %get3A_0] : memref<2x8192xf32, #tpu.memory_space<vmem>>, vector<1x8192xf32>
    %get3A_2 = arith.constant 1 : index
    %get3A_3 = arith.constant 0 : index
    %get3A_4 = vector.load %arg2[%get3A_2, %get3A_3] : memref<2x8192xf32, #tpu.memory_space<vmem>>, vector<1x8192xf32>
    %iota3A = tpu.iota {dimensions = array<i32: 0>} : vector<10x8192xi32>
    %convert_element_type3A = arith.sitofp %iota3A : vector<10x8192xi32> to vector<10x8192xf32>
    %eq3A = vector.broadcast %get3A_4 : vector<1x8192xf32> to vector<10x8192xf32>
    %eq3A_5 = arith.cmpf oeq, %convert_element_type3A, %eq3A : vector<10x8192xf32>
    %jit3A = arith.constant 0.000000e+00 : f32
    %broadcast_in_dim3A = vector.shape_cast %get3A_1 : vector<1x8192xf32> to vector<1x8192xf32>
    %broadcast_in_dim3A_6 = vector.broadcast %broadcast_in_dim3A : vector<1x8192xf32> to vector<10x8192xf32>
    %broadcast_in_dim3A_7 = vector.broadcast %jit3A : f32 to vector<10x8192xf32>
    %select_n3A = arith.select %eq3A_5, %broadcast_in_dim3A_6, %broadcast_in_dim3A_7 : vector<10x8192xi1>, vector<10x8192xf32>
    %get3A_8 = arith.constant 0 : index
    %get3A_9 = arith.constant 0 : index
    %get3A_10 = vector.load %arg1[%get3A_8, %get3A_9] : memref<256x8192xf32, #tpu.memory_space<vmem>>, vector<256x8192xf32>
    %dot_general3A = arith.constant dense<0.000000e+00> : vector<256x10xf32>
    %dot_general3A_11 = tpu.matmul %get3A_10, %select_n3A, %dot_general3A {dimension_numbers = #tpu.dot_dimension_numbers<[1], [1], [0], [0], [0, 0, 1, 0], [], []>, transpose_lhs_hint = false} : vector<256x8192xf32>, vector<10x8192xf32>, vector<256x10xf32> -> vector<256x10xf32>
    %convert_element_type3A_12 = arith.extui %eq3A_5 : vector<10x8192xi1> to vector<10x8192xi32>
    %convert_element_type3A_13 = arith.sitofp %convert_element_type3A_12 : vector<10x8192xi32> to vector<10x8192xf32>
    %reduce_sum3A = arith.constant dense<0.000000e+00> : vector<10xf32>
    %reduce_sum3A_14 = vector.multi_reduction <add>, %convert_element_type3A_13, %reduce_sum3A [1] : vector<10x8192xf32> to vector<10xf32>
    %broadcast_in_dim3A_15 = vector.shape_cast %reduce_sum3A_14 : vector<10xf32> to vector<10x1xf32>
    %eq3A_16 = arith.constant 0 : i32
    %eq3A_17 = arith.cmpi eq, %arg0, %eq3A_16 : i32
    %convert_element_type3A_18 = arith.extui %eq3A_17 : i1 to i32
    %cond3A = arith.constant 0 : i32
    %cond3A_19 = arith.cmpi ne, %convert_element_type3A_18, %cond3A : i32
    scf.if %cond3A_19 {
      %get3A_37 = arith.constant 0 : index
      %get3A_38 = arith.constant 0 : index
      %get3A_39 = vector.load %arg3[%get3A_37, %get3A_38] : memref<256x10xf32, #tpu.memory_space<vmem>>, vector<256x10xf32>
      %swap3A_40 = arith.constant 0 : index
      %swap3A_41 = arith.constant 0 : index
      %swap3A_42 = vector.load %arg6[%swap3A_40, %swap3A_41] : memref<256x10xf32, #tpu.memory_space<vmem>>, vector<256x10xf32>
      tpu.vector_store %arg6[%swap3A_40, %swap3A_41], %get3A_39 {strides = array<i32>} : memref<256x10xf32, #tpu.memory_space<vmem>>, vector<256x10xf32>,
      %get3A_43 = arith.constant 0 : index
      %get3A_44 = arith.constant 0 : index
      %get3A_45 = vector.load %arg4[%get3A_43, %get3A_44] : memref<10x1xf32, #tpu.memory_space<vmem>>, vector<10x1xf32>
      %swap3A_46 = arith.constant 0 : index
      %swap3A_47 = arith.constant 0 : index
      %swap3A_48 = vector.load %arg7[%swap3A_46, %swap3A_47] : memref<10x1xf32, #tpu.memory_space<vmem>>, vector<10x1xf32>
      tpu.vector_store %arg7[%swap3A_46, %swap3A_47], %get3A_45 {strides = array<i32>} : memref<10x1xf32, #tpu.memory_space<vmem>>, vector<10x1xf32>,
    } else {
    }
    %get3A_20 = arith.constant 0 : index
    %get3A_21 = arith.constant 0 : index
    %get3A_22 = vector.load %arg6[%get3A_20, %get3A_21] : memref<256x10xf32, #tpu.memory_space<vmem>>, vector<256x10xf32>
    %add3A = arith.addf %get3A_22, %dot_general3A_11 : vector<256x10xf32>
    %swap3A = arith.constant 0 : index
    %swap3A_23 = arith.constant 0 : index
    %swap3A_24 = vector.load %arg6[%swap3A, %swap3A_23] : memref<256x10xf32, #tpu.memory_space<vmem>>, vector<256x10xf32>
    tpu.vector_store %arg6[%swap3A, %swap3A_23], %add3A {strides = array<i32>} : memref<256x10xf32, #tpu.memory_space<vmem>>, vector<256x10xf32>,
    %get3A_25 = arith.constant 0 : index
    %get3A_26 = arith.constant 0 : index
    %get3A_27 = vector.load %arg7[%get3A_25, %get3A_26] : memref<10x1xf32, #tpu.memory_space<vmem>>, vector<10x1xf32>
    %add3A_28 = arith.addf %get3A_27, %broadcast_in_dim3A_15 : vector<10x1xf32>
    %swap3A_29 = arith.constant 0 : index
    %swap3A_30 = arith.constant 0 : index
    %swap3A_31 = vector.load %arg7[%swap3A_29, %swap3A_30] : memref<10x1xf32, #tpu.memory_space<vmem>>, vector<10x1xf32>
    tpu.vector_store %arg7[%swap3A_29, %swap3A_30], %add3A_28 {strides = array<i32>} : memref<10x1xf32, #tpu.memory_space<vmem>>, vector<10x1xf32>,
    %eq3A_32 = arith.constant 3 : i32
    %eq3A_33 = arith.cmpi eq, %arg0, %eq3A_32 : i32
    %convert_element_type3A_34 = arith.extui %eq3A_33 : i1 to i32
    %cond3A_35 = arith.constant 0 : i32
    %cond3A_36 = arith.cmpi ne, %convert_element_type3A_34, %cond3A_35 : i32
    scf.if %cond3A_36 {
      %get3A_37 = arith.constant 0 : index
      %get3A_38 = arith.constant 0 : index
      %get3A_39 = vector.load %arg7[%get3A_37, %get3A_38] : memref<10x1xf32, #tpu.memory_space<vmem>>, vector<10x1xf32>
      %reshape3A = vector.shape_cast %get3A_39 : vector<10x1xf32> to vector<1x10xf32>
      %get3A_40 = arith.constant 0 : index
      %get3A_41 = arith.constant 0 : index
      %get3A_42 = vector.load %arg6[%get3A_40, %get3A_41] : memref<256x10xf32, #tpu.memory_space<vmem>>, vector<256x10xf32>
      %div3A = vector.broadcast %reshape3A : vector<1x10xf32> to vector<256x10xf32>
      %div3A_43 = arith.divf %get3A_42, %div3A : vector<256x10xf32>
      %ne3A = arith.cmpf one, %div3A_43, %div3A_43 : vector<256x10xf32>
      %jit3A_44 = arith.constant 0.000000e+00 : f32
      %broadcast_in_dim3A_45 = vector.broadcast %jit3A_44 : f32 to vector<256x10xf32>
      %select_n3A_46 = arith.select %ne3A, %broadcast_in_dim3A_45, %div3A_43 : vector<256x10xi1>, vector<256x10xf32>
      %eq3A_47 = arith.constant 0x7F800000 : f32
      %eq3A_48 = vector.broadcast %eq3A_47 : f32 to vector<256x10xf32>
      %eq3A_49 = arith.cmpf oeq, %select_n3A_46, %eq3A_48 : vector<256x10xf32>
      %jit3A_50 = arith.constant 0.000000e+00 : f32
      %broadcast_in_dim3A_51 = vector.broadcast %jit3A_50 : f32 to vector<256x10xf32>
      %select_n3A_52 = arith.select %eq3A_49, %broadcast_in_dim3A_51, %select_n3A_46 : vector<256x10xi1>, vector<256x10xf32>
      %eq3A_53 = arith.constant 0xFF800000 : f32
      %eq3A_54 = vector.broadcast %eq3A_53 : f32 to vector<256x10xf32>
      %eq3A_55 = arith.cmpf oeq, %select_n3A_52, %eq3A_54 : vector<256x10xf32>
      %jit3A_56 = arith.constant -3.40282347E+38 : f32
      %broadcast_in_dim3A_57 = vector.broadcast %jit3A_56 : f32 to vector<256x10xf32>
      %select_n3A_58 = arith.select %eq3A_55, %broadcast_in_dim3A_57, %select_n3A_52 : vector<256x10xi1>, vector<256x10xf32>
      %swap3A_59 = arith.constant 0 : index
      %swap3A_60 = arith.constant 0 : index
      %swap3A_61 = vector.load %arg5[%swap3A_59, %swap3A_60] : memref<256x10xf32, #tpu.memory_space<vmem>>, vector<256x10xf32>
      tpu.vector_store %arg5[%swap3A_59, %swap3A_60], %select_n3A_58 {strides = array<i32>} : memref<256x10xf32, #tpu.memory_space<vmem>>, vector<256x10xf32>,
    } else {
    }
    return
  }
  func.func @transform_0(%arg0: i32) -> (i32, i32) {
    %add3A = arith.constant 4 : i32
    %add3A_0 = arith.addi %arg0, %add3A : i32
    %c0_i32 = arith.constant 0 : i32
    %c0_i32_1 = arith.constant 0 : i32
    return %c0_i32, %add3A_0 : i32, i32
  }
  func.func @transform_1(%arg0: i32) -> (i32, i32) {
    %c0_i32 = arith.constant 0 : i32
    %c0_i32_0 = arith.constant 0 : i32
    return %c0_i32, %arg0 : i32, i32
  }
  func.func @transform_2(%arg0: i32) -> (i32, i32) {
    %c0_i32 = arith.constant 0 : i32
    %c0_i32_0 = arith.constant 0 : i32
    %c0_i32_1 = arith.constant 0 : i32
    return %c0_i32, %c0_i32_0 : i32, i32
  }
  func.func @transform_3(%arg0: i32) -> (i32, i32) {
    %c0_i32 = arith.constant 0 : i32
    %c0_i32_0 = arith.constant 0 : i32
    %c0_i32_1 = arith.constant 0 : i32
    return %c0_i32, %c0_i32_0 : i32, i32
  }
  func.func @transform_4(%arg0: i32) -> (i32, i32) {
    %c0_i32 = arith.constant 0 : i32
    %c0_i32_0 = arith.constant 0 : i32
    %c0_i32_1 = arith.constant 0 : i32
    return %c0_i32, %c0_i32_0 : i32, i32
  }
}

module attributes {stable_mosaic.version = 14 : i64} {
  func.func @_tc_a_kernel(%arg0: i32, %arg1: memref<256x8192xf32, #tpu.memory_space<vmem>>, %arg2: memref<10x8192xf32, #tpu.memory_space<vmem>>, %arg3: memref<256x10xf32, #tpu.memory_space<vmem>>, %arg4: memref<10x1xf32, #tpu.memory_space<vmem>>) attributes {dimension_semantics = [#tpu.dimension_semantics<arbitrary>], iteration_bounds = array<i64: 4>, scalar_prefetch = 0 : i64, scratch_operands = 0 : i64, tpu.core_type = #tpu.core_type<tc>, window_params = [{transform_indices = @transform_0, window_bounds = array<i64: 256, 8192>}, {transform_indices = @transform_1, window_bounds = array<i64: 10, 8192>}, {pipeline_mode = #tpu.pipeline_mode<synchronous>, transform_indices = @transform_2, window_bounds = array<i64: 256, 10>}, {pipeline_mode = #tpu.pipeline_mode<synchronous>, transform_indices = @transform_3, window_bounds = array<i64: 10, 1>}]} {
    %get3A = arith.constant 0 : index
    %get3A_0 = arith.constant 0 : index
    %get3A_1 = vector.load %arg2[%get3A, %get3A_0] : memref<10x8192xf32, #tpu.memory_space<vmem>>, vector<10x8192xf32>
    %abs3A = math.absf %get3A_1 : vector<10x8192xf32>
    %reduce_sum3A = arith.constant dense<0.000000e+00> : vector<8192xf32>
    %reduce_sum3A_2 = vector.multi_reduction <add>, %abs3A, %reduce_sum3A [0] : vector<10x8192xf32> to vector<8192xf32>
    %broadcast_in_dim3A = vector.shape_cast %reduce_sum3A_2 : vector<8192xf32> to vector<1x8192xf32>
    %max3A = arith.constant 9.99999996E-13 : f32
    %max3A_3 = vector.broadcast %max3A : f32 to vector<1x8192xf32>
    %max3A_4 = arith.maximumf %broadcast_in_dim3A, %max3A_3 : vector<1x8192xf32>
    %reduce_max3A = arith.constant dense<0xFF800000> : vector<8192xf32>
    %reduce_max3A_5 = vector.multi_reduction <maximumf>, %get3A_1, %reduce_max3A [0] : vector<10x8192xf32> to vector<8192xf32>
    %broadcast_in_dim3A_6 = vector.shape_cast %reduce_max3A_5 : vector<8192xf32> to vector<1x8192xf32>
    %iota3A = tpu.iota {dimensions = array<i32: 0>} : vector<10x8192xi32>
    %eq3A = vector.broadcast %broadcast_in_dim3A_6 : vector<1x8192xf32> to vector<10x8192xf32>
    %eq3A_7 = arith.cmpf oeq, %get3A_1, %eq3A : vector<10x8192xf32>
    %jit3A = arith.constant 10 : i32
    %broadcast_in_dim3A_8 = vector.broadcast %jit3A : i32 to vector<10x8192xi32>
    %select_n3A = arith.select %eq3A_7, %iota3A, %broadcast_in_dim3A_8 : vector<10x8192xi1>, vector<10x8192xi32>
    %reduce_min3A = arith.constant dense<2147483647> : vector<8192xi32>
    %reduce_min3A_9 = vector.multi_reduction <minsi>, %select_n3A, %reduce_min3A [0] : vector<10x8192xi32> to vector<8192xi32>
    %broadcast_in_dim3A_10 = vector.shape_cast %reduce_min3A_9 : vector<8192xi32> to vector<1x8192xi32>
    %eq3A_11 = vector.broadcast %broadcast_in_dim3A_10 : vector<1x8192xi32> to vector<10x8192xi32>
    %eq3A_12 = arith.cmpi eq, %iota3A, %eq3A_11 : vector<10x8192xi32>
    %div3A = arith.divf %broadcast_in_dim3A_6, %max3A_4 : vector<1x8192xf32>
    %jit3A_13 = arith.constant 0.000000e+00 : f32
    %broadcast_in_dim3A_14 = vector.shape_cast %div3A : vector<1x8192xf32> to vector<1x8192xf32>
    %broadcast_in_dim3A_15 = vector.broadcast %broadcast_in_dim3A_14 : vector<1x8192xf32> to vector<10x8192xf32>
    %broadcast_in_dim3A_16 = vector.broadcast %jit3A_13 : f32 to vector<10x8192xf32>
    %select_n3A_17 = arith.select %eq3A_12, %broadcast_in_dim3A_15, %broadcast_in_dim3A_16 : vector<10x8192xi1>, vector<10x8192xf32>
    %get3A_18 = arith.constant 0 : index
    %get3A_19 = arith.constant 0 : index
    %get3A_20 = vector.load %arg1[%get3A_18, %get3A_19] : memref<256x8192xf32, #tpu.memory_space<vmem>>, vector<256x8192xf32>
    %dot_general3A = arith.constant dense<0.000000e+00> : vector<256x10xf32>
    %dot_general3A_21 = tpu.matmul %get3A_20, %select_n3A_17, %dot_general3A {dimension_numbers = #tpu.dot_dimension_numbers<[1], [1], [0], [0], [0, 0, 1, 0], [], []>, transpose_lhs_hint = false} : vector<256x8192xf32>, vector<10x8192xf32>, vector<256x10xf32> -> vector<256x10xf32>
    %convert_element_type3A = arith.extui %eq3A_12 : vector<10x8192xi1> to vector<10x8192xi32>
    %convert_element_type3A_22 = arith.sitofp %convert_element_type3A : vector<10x8192xi32> to vector<10x8192xf32>
    %reduce_sum3A_23 = arith.constant dense<0.000000e+00> : vector<10xf32>
    %reduce_sum3A_24 = vector.multi_reduction <add>, %convert_element_type3A_22, %reduce_sum3A_23 [1] : vector<10x8192xf32> to vector<10xf32>
    %broadcast_in_dim3A_25 = vector.shape_cast %reduce_sum3A_24 : vector<10xf32> to vector<10x1xf32>
    %eq3A_26 = arith.constant 0 : i32
    %eq3A_27 = arith.cmpi eq, %arg0, %eq3A_26 : i32
    %convert_element_type3A_28 = arith.extui %eq3A_27 : i1 to i32
    %cond3A = arith.constant 0 : i32
    %cond3A_29 = arith.cmpi ne, %convert_element_type3A_28, %cond3A : i32
    scf.if %cond3A_29 {
      %broadcast_in_dim3A_42 = arith.constant 0.000000e+00 : f32
      %broadcast_in_dim3A_43 = vector.broadcast %broadcast_in_dim3A_42 : f32 to vector<256x10xf32>
      %swap3A_44 = arith.constant 0 : index
      %swap3A_45 = arith.constant 0 : index
      %swap3A_46 = vector.load %arg3[%swap3A_44, %swap3A_45] : memref<256x10xf32, #tpu.memory_space<vmem>>, vector<256x10xf32>
      tpu.vector_store %arg3[%swap3A_44, %swap3A_45], %broadcast_in_dim3A_43 {strides = array<i32>} : memref<256x10xf32, #tpu.memory_space<vmem>>, vector<256x10xf32>,
      %broadcast_in_dim3A_47 = arith.constant 0.000000e+00 : f32
      %broadcast_in_dim3A_48 = vector.broadcast %broadcast_in_dim3A_47 : f32 to vector<10x1xf32>
      %swap3A_49 = arith.constant 0 : index
      %swap3A_50 = arith.constant 0 : index
      %swap3A_51 = vector.load %arg4[%swap3A_49, %swap3A_50] : memref<10x1xf32, #tpu.memory_space<vmem>>, vector<10x1xf32>
      tpu.vector_store %arg4[%swap3A_49, %swap3A_50], %broadcast_in_dim3A_48 {strides = array<i32>} : memref<10x1xf32, #tpu.memory_space<vmem>>, vector<10x1xf32>,
    } else {
    }
    %get3A_30 = arith.constant 0 : index
    %get3A_31 = arith.constant 0 : index
    %get3A_32 = vector.load %arg3[%get3A_30, %get3A_31] : memref<256x10xf32, #tpu.memory_space<vmem>>, vector<256x10xf32>
    %add3A = arith.addf %get3A_32, %dot_general3A_21 : vector<256x10xf32>
    %swap3A = arith.constant 0 : index
    %swap3A_33 = arith.constant 0 : index
    %swap3A_34 = vector.load %arg3[%swap3A, %swap3A_33] : memref<256x10xf32, #tpu.memory_space<vmem>>, vector<256x10xf32>
    tpu.vector_store %arg3[%swap3A, %swap3A_33], %add3A {strides = array<i32>} : memref<256x10xf32, #tpu.memory_space<vmem>>, vector<256x10xf32>,
    %get3A_35 = arith.constant 0 : index
    %get3A_36 = arith.constant 0 : index
    %get3A_37 = vector.load %arg4[%get3A_35, %get3A_36] : memref<10x1xf32, #tpu.memory_space<vmem>>, vector<10x1xf32>
    %add3A_38 = arith.addf %get3A_37, %broadcast_in_dim3A_25 : vector<10x1xf32>
    %swap3A_39 = arith.constant 0 : index
    %swap3A_40 = arith.constant 0 : index
    %swap3A_41 = vector.load %arg4[%swap3A_39, %swap3A_40] : memref<10x1xf32, #tpu.memory_space<vmem>>, vector<10x1xf32>
    tpu.vector_store %arg4[%swap3A_39, %swap3A_40], %add3A_38 {strides = array<i32>} : memref<10x1xf32, #tpu.memory_space<vmem>>, vector<10x1xf32>,
    return
  }
  func.func @transform_0(%arg0: i32) -> (i32, i32) {
    %c0_i32 = arith.constant 0 : i32
    %c0_i32_0 = arith.constant 0 : i32
    return %c0_i32, %arg0 : i32, i32
  }
  func.func @transform_1(%arg0: i32) -> (i32, i32) {
    %c0_i32 = arith.constant 0 : i32
    %c0_i32_0 = arith.constant 0 : i32
    return %c0_i32, %arg0 : i32, i32
  }
  func.func @transform_2(%arg0: i32) -> (i32, i32) {
    %c0_i32 = arith.constant 0 : i32
    %c0_i32_0 = arith.constant 0 : i32
    %c0_i32_1 = arith.constant 0 : i32
    return %c0_i32, %c0_i32_0 : i32, i32
  }
  func.func @transform_3(%arg0: i32) -> (i32, i32) {
    %c0_i32 = arith.constant 0 : i32
    %c0_i32_0 = arith.constant 0 : i32
    %c0_i32_1 = arith.constant 0 : i32
    return %c0_i32, %c0_i32_0 : i32, i32
  }
}

</mosaic_0001>

<sc_bundles>
// kernel: kernel.5.cloned.1.call-start
scs
__scs_entry_jumppad:
0x0: {  	(pc) =	sbr.rel $0x88, $3  }
0x1: {  	(tag) =	ssettag $0x0;
	lr =	simm.s32 $0x1  }
0x2: {  	[smem:$0x3F9F] =	sst lr;
	_ =	strace $0xD0000000  }
0x3: {  	_ = 	snop  }
0x4: {  	_ = 	snop  }
0x5: {  	_ = 	snop  }
0x6: {  	_ = 	snop  }
0x7: {  	_ = 	snop  }
__scs_overlays_trampoline_lowered:
0x8: {  	[smem:$0x3FAE] =	sst s0  }
0x9: {  	[smem:$0x3FAF] =	sst s1  }
0xa: {  	[smem:$0x3FB0] =	sst s2  }
0xb: {  	[smem:$0x3FB1] =	sst s3  }
0xc: {  	[smem:$0x3FB2] =	sst s4  }
0xd: {  	[smem:$0x3FB3] =	sst s5  }
0xe: {  	[smem:$0x3FB4] =	sst s6  }
0xf: {  	[smem:$0x3FB5] =	sst s7  }
0x10: {  	[smem:$0x3FB6] =	sst s8  }
0x11: {  	[smem:$0x3FB7] =	sst s9;
	s0 =	simm.s32 @!p0 $0x0  }
0x12: {  	s1 =	sld [smem:$0x3F9D];
	s0 =	simm.s32 @p0 $0x1  }
0x13: {  	[smem:$0x3FB8] =	sst s0;
	s0 =	simm.s32 @!p1 $0x0  }
0x14: {  	s2 =	sld [smem:$0x3F9C];
	s0 =	simm.s32 @p1 $0x1  }
0x15: {  	[smem:$0x3FB9] =	sst s0;
	s0 =	simm.s32 @!p2 $0x0  }
0x16: {  	s3 =	sld [smem:$0x3FDB];
	s0 =	simm.s32 @p2 $0x1  }
0x17: {  	s4 =	simm.s32 $0x1BF5;
	[smem:$0x3FBB] =	sst s0  }
0x18: {  	s0 =	sld [smem:$0x3F9E];
	_ =	swait.ge [sflag:s4], $0x0  }
0x19: {  	s7 =	sld [smem:$0x3F9F]  }
0x1a: {  	s8 =	sadd.s32 $0xFFFFE003, lr  }
0x1b: {  	s9 =	sadd.s32 $0xFFFFFEF7, lr;
	s5 =	simm.s32 $0xFFFFFFFF;
	p2 =	slt.u32 s8, $0xFFFFF086  }
0x1c: {  	p1 =	slt.u32 s9, $0xF7A;
	s5 =	simm.s32 @!p2 $0x0  }
0x1d: {  	s5 =	simm.s32 @p1 $0x1;
	p0 =	seq.s32 s7, s2  }
0x1e: {  	s7 =	smul.u32 @!p0 $0xF7A, s2;
	p2 =	seq.s32 @!p0 s5, $0x0  }
0x1f: {  	s9 =	smul.u32 $0xF7A, s1;
	s8 =	simm.s32 @!p0 $0x1BF5;
	p2 =	por !p2, p0  }
0x20: {  	[sflag:s8] =	ssyncset.s32 @!p0 $0xFFFFF086;
	s6 =	sadd.s32 @!p0 s3, s7;
	s7 =	simm.s32 @!p0 $0x108  }
0x21: {  	s3 =	sadd.s32 s3, s9;
	s6 =	sadd.s32 @!p0 $0x88, s6;
	s7 =	simm.s32 @p2 $0x1082  }
0x22: {  	[simem:s7], [sflag:s8] =	dma.local @!p0 [hbm:s6], $0xF7A  }
0x23: {  	s9 =	sor.u32 $0xD0000000, s2;
	s6 =	simm.s32 $0x108;
	_ =	swait.ge @!p0 [sflag:s8], $0x0  }
0x24: {  	s3 =	sadd.s32 $0x88, s3;
	s6 =	simm.s32 @!p1 $0x1082;
	[sflag:s4] =	ssyncset.s32 $0xFFFFF086  }
0x25: {  	[simem:s6], [sflag:s4] =	dma.local [hbm:s3], $0xF7A  }
0x26: {  	[smem:$0x3F9F] =	sst s1;
	(tag) =	ssettag s2;
	_ =	strace s9  }
0x27: {  	s1 =	sld [smem:$0x3FAF]  }
0x28: {  	s2 =	sld [smem:$0x3FB0]  }
0x29: {  	s4 =	sld [smem:$0x3FB2]  }
0x2a: {  	p0 =	seq.s32 s5, $0x0;
	s5 =	sld [smem:$0x3FB3]  }
0x2b: {  	s6 =	sld [smem:$0x3FB4]  }
0x2c: {  	s7 =	sld [smem:$0x3FB5]  }
0x2d: {  	s3 =	simm.s32 $0x108;
	s8 =	sld [smem:$0x3FB6]  }
0x2e: {  	s3 =	simm.s32 @!p0 $0x1082;
	s9 =	sld [smem:$0x3FB7]  }
0x2f: {  	lr =	sadd.s32 s0, s3;
	s0 =	sld [smem:$0x3FAE]  }
0x30: {  	s3 =	sld [smem:$0x3FB1]  }
0x31: {  	[smem:$0x3FBA] =	sst s10  }
0x32: {  	s10 =	sld [smem:$0x3FB8];
	_ =	sdelay $0x3  }
0x33: {  	p0 =	seq.s32 s10, $0x1;
	s10 =	sld [smem:$0x3FBA];
	_ =	sdelay $0x3  }
0x34: {  	[smem:$0x3FBA] =	sst s10  }
0x35: {  	s10 =	sld [smem:$0x3FB9];
	_ =	sdelay $0x3  }
0x36: {  	p1 =	seq.s32 s10, $0x1;
	s10 =	sld [smem:$0x3FBA];
	_ =	sdelay $0x3  }
0x37: {  	[smem:$0x3FBA] =	sst s10  }
0x38: {  	s10 =	sld [smem:$0x3FBB]  }
0x39: {  	_ = 	snop;
	(pc) =	sbr.ind lr, $3  }
0x3a: {  	_ = 	snop  }
0x3b: {  	_ = 	snop  }
0x3c: {  	p2 =	seq.s32 s10, $0x1;
	s10 =	sld [smem:$0x3FBA]  }
0x3d: {  	_ =	shalt  }
0x3e: {  	_ =	shalt  }
0x3f: {  	_ =	shalt  }
0x40: {  	_ =	shalt  }
0x41: {  	_ =	shalt  }
0x42: {  	_ =	shalt  }
0x43: {  	_ =	shalt  }
0x44: {  	_ =	shalt  }
0x45: {  	_ =	shalt  }
0x46: {  	_ =	shalt  }
0x47: {  	_ =	shalt  }
0x48: {  	_ =	shalt  }
0x49: {  	_ =	shalt  }
0x4a: {  	_ =	shalt  }
0x4b: {  	_ =	shalt  }
0x4c: {  	_ =	shalt  }
0x4d: {  	_ =	shalt  }
0x4e: {  	_ =	shalt  }
0x4f: {  	_ =	shalt  }
0x50: {  	_ =	shalt  }
0x51: {  	_ =	shalt  }
0x52: {  	_ =	shalt  }
0x53: {  	_ =	shalt  }
0x54: {  	_ =	shalt  }
0x55: {  	_ =	shalt  }
0x56: {  	_ =	shalt  }
0x57: {  	_ =	shalt  }
0x58: {  	_ =	shalt  }
0x59: {  	_ =	shalt  }
0x5a: {  	_ =	shalt  }
0x5b: {  	_ =	shalt  }
0x5c: {  	_ =	shalt  }
0x5d: {  	_ =	shalt  }
0x5e: {  	_ =	shalt  }
0x5f: {  	_ =	shalt  }
0x60: {  	_ =	shalt  }
0x61: {  	_ =	shalt  }
0x62: {  	_ =	shalt  }
0x63: {  	_ =	shalt  }
0x64: {  	_ =	shalt  }
0x65: {  	_ =	shalt  }
0x66: {  	_ =	shalt  }
0x67: {  	_ =	shalt  }
0x68: {  	_ =	shalt  }
0x69: {  	_ =	shalt  }
0x6a: {  	_ =	shalt  }
0x6b: {  	_ =	shalt  }
0x6c: {  	_ =	shalt  }
0x6d: {  	_ =	shalt  }
0x6e: {  	_ =	shalt  }
0x6f: {  	_ =	shalt  }
0x70: {  	_ =	shalt  }
0x71: {  	_ =	shalt  }
0x72: {  	_ =	shalt  }
0x73: {  	_ =	shalt  }
0x74: {  	_ =	shalt  }
0x75: {  	_ =	shalt  }
0x76: {  	_ =	shalt  }
0x77: {  	_ =	shalt  }
0x78: {  	_ =	shalt  }
0x79: {  	_ =	shalt  }
0x7a: {  	_ =	shalt  }
0x7b: {  	_ =	shalt  }
0x7c: {  	_ =	shalt  }
0x7d: {  	_ =	shalt  }
0x7e: {  	_ =	shalt  }
0x7f: {  	_ =	shalt  }
0x80: {  	_ =	shalt  }
0x81: {  	_ =	shalt  }
0x82: {  	_ =	shalt  }
0x83: {  	_ =	shalt  }
0x84: {  	_ =	shalt  }
0x85: {  	_ =	shalt  }
0x86: {  	_ =	shalt  }
0x87: {  	_ =	shalt  }
.Lfunc_end0:
.L_simem_size_0:
called_computation_lowered:
.L_overlay_start_0:
0x88: {  	s2 =	sld [smem:$0x3FD9]  }
0x89: {  	s3 =	sld [smem:$0x3FFE];
	_ =	sdelay $0x1  }
0x8a: {  	s1 =	srdreg.scid  }
0x8b: {  	s0 =	sand.u32 $0x1, s1  }
0x8c: {  	s17 =	sshll.u32 s0, $0xA;
	s2 =	sadd.s32 s3, s2  }
0x8d: {  	s2 =	sadd.s32 s2, s17  }
0x8e: {  	[smem:$0x3FC6] =	sst s2  }
0x8f: {  	_ = 	snop  }
0x90: {  	s2 =	sld [smem:$0x3FC8];
	(tm) =	ssettm $0x1  }
0x91: {  	s18 =	sld [smem:$0x3FFB];
	_ =	sdelay $0x3  }
0x92: {  	_ =	strace s18  }
0x93: {  	s3 =	sld [smem:$0x3FFC];
	_ =	sdelay $0x3  }
0x94: {  	_ =	strace s3  }
0x95: {  	s3 =	sld [smem:$0x3FFD];
	_ =	sdelay $0x3  }
0x96: {  	_ =	strace s3  }
0x97: {  	_ =	strace $0x8FFFFFFF  }
0x98: {  	s19 =	sld [smem:$0x3FDB];
	_ =	sdelay $0x1  }
0x99: {  	s4 =	simm.s32 $_scs_section_size  }
0x9a: {  	s5 =	simm.s32 $_size__tile_overlayer_lowered;
	s6 =	simm.s32 $_tile_overlayer_lowered  }
0x9b: {  	s22 =	simm.s32 $0x1BFF;
	s21 =	sshll.u32 s6, $0x1;
	s3 =	sadd.s32 s4, s19  }
0x9c: {  	s7 =	simm.s32 $0x0;
	s20 =	sshll.u32 s5, $0x1;
	s5 =	sadd.s32 s21, s3  }
0x9d: {  	[timem:s7], [sflag:s22] =	dma.local [hbm:s5], s20  }
0x9e: {  	_ =	swait.ge [sflag:s22], s20  }
0x9f: {  	s4 =	ssub.s32 $0x0, s20;
	[sflag:s22] =	ssyncset.done $0x0  }
0xa0: {  	[sflag:s22] =	ssyncadd.s32 s4;
	_ =	sdelay $0x1  }
0xa1: {  	s23 =	simm.s32 $0x1B8B  }
0xa2: {  	_ =	swait.ge [sflag:s23], $0x1  }
0xa3: {  	[sflag:s23] =	ssyncset.done $0x0  }
0xa4: {  	s25 =	simm.s32 $0x1B8E;
	s24 =	sld [smem:$0x3FFE];
	[sflag:s23] =	ssyncadd.s32 $0xFFFFFFFF  }
0xa5: {  	s26 =	simm.s32 $execute0_lowered;
	[smem:$0x3FD2] =	sst s25  }
0xa6: {  	s5 =	sshll.u32 s26, $0x1;
	_ =	strace $0x80000046;
	[dreg:$0x1] =	wrdreg $0xFFFFFFFF  }
0xa7: {  	s28 =	simm.s32 $_size_execute0_lowered;
	s3 =	sadd.s32 s3, s5;
	[dreg:$0x0] =	wrdreg $0x0  }
0xa8: {  	s5 =	sshll.u32 s28, $0x1;
	[dreg:$0x2] =	wrdreg s3  }
0xa9: {  	[dreg:$0x3] =	wrdreg s5  }
0xaa: {  	[dreg:$0x4] =	wrdreg $0xC0  }
0xab: {  	_ =	task [dreg:s7], $0x5FFFF  }
0xac: {  	[dreg:$0x1] =	wrdreg $0xFFFFFFFF  }
0xad: {  	[dreg:$0x0] =	wrdreg $0x60  }
0xae: {  	[dreg:$0x2] =	wrdreg s2  }
0xaf: {  	[dreg:$0x3] =	wrdreg s24  }
0xb0: {  	[dreg:$0x4] =	wrdreg $0x9  }
0xb1: {  	_ =	task.clear_ibuf [dreg:s7], $0x5FFFF;
	_ =	strace $0x90000046  }
0xb2: {  	s29 =	simm.s32 $0x9;
	_ =	strace $0x80000048  }
0xb3: {  	_ =	swait.ge [sflag:s29], $0x1  }
0xb4: {  	[sflag:s29] =	ssyncadd.s32 $0xFFFFFFFF  }
0xb5: {  	_ =	strace $0x90000048  }
0xb6: {  	_ =	sfence  }
0xb7: {  	s30 =	sld [smem:$0x0];
	_ =	sdelay $0x2  }
0xb8: {  	s31 =	sshll.u32 s1, $0xD;
	s1 =	sshrl.u32 s1, $0x2  }
0xb9: {  	s3 =	sand.u32 $0x4000, s31;
	s1 =	sadd.s32 s1, s30  }
0xba: {  	s0 =	sor.u32 s3, s0;
	s1 =	sshll.u32 s1, $0x11  }
0xbb: {  	s0 =	sor.u32 s1, s0  }
0xbc: {  	s0 =	sadd.s32 $0x8F2B, s0  }
0xbd: {  	[sflag:s0] =	ssyncadd.remote.s32 $0x1  }
0xbe: {  	_ =	sfence.sel $0xFFFF  }
0xbf: {  	[dreg:$0x0] =	wrdreg $0xFFFFFFFF;
	(pc) =	sbr.abs _section_cstart, $3  }
0xc0: {  	[dreg:$0x1] =	wrdreg $0xFFFFFFFF  }
0xc1: {  	_ =	task.clear_ibuf [dreg:s7], $0x2FFFF;
	_ =	strace $0x9FFFFFFF  }
0xc2: {  	(tm) =	ssettm $0x7FFFFFFF  }
0xc3: {  	_ =	shalt  }
tec
execute0_lowered:
.L_overlay_start_1:
0x0: {  	(tag) =	ssettag $0x1  }
0x1: {  	s3 =	rddreg [dreg:$0x0]  }
0x2: {  	s4 =	rddreg [dreg:$0x1];
	s2 =	srdreg.scid  }
0x3: {  	s0 =	rddreg [dreg:$0x2];
	s1 =	stileid.u32;
	s9 =	simm.s32 $0x1  }
0x4: {  	s10 =	simm.s32 $0x80;
	s11 =	simm.s32 $0x100;
	s12 =	simm.s32 $0x4000  }
0x5: {  	s13 =	simm.s32 $0x4400;
	s14 =	simm.s32 $0x0;
	s5 =	sand.u32 $0x1, s2  }
0x6: {  	s2 =	simm.s32 $0x0;
	s6 =	sshll.u32 s1, $0xB;
	s7 =	sshll.u32 s5, $0xA  }
0x7: {  	[smem:$0x7FF] =	sst s2;
	s5 =	ssub.s32 $0x2, s5;
	s6 =	sor.u32 s7, s6  }
0x8: {  	_ =	strace $0x80000047;
	s8 =	sshrl.u32 s5, $0x1;
	s7 =	sshrl.u32 s6, $0x2  }
0x9: {  	s8 =	ssub.s32 s5, s8;
	s3 =	sadd.s32 s6, s3;
	s7 =	sadd.s32 s7, s4  }
0xa: {  	s3 =	sadd.s32 $0x8000, s3;
	s6 =	smax.u32 s8, $0x1;
	s8 =	simm.s32 $0x80000  }
0xb: {  	v0 =	vimm.f32 $0.0e+00;
	s4 =	sadd.s32 $0xA00, s7;
	s5 =	sadd.s32 $0xA10, s7;
	s7 =	simm.s32 $0x2000  }
.LBB2_1:
0xc: {  	[tilespmem:s2], [sflag:$0x1] =	stream.strided.gather [hbm4b:s3+s7], $0x4000, s8, s7, $0x38;
	[tilespmem:$0x4800] =	vst v63  }
0xd: {  	s18 =	simm.s32 $0x0  }
0xe: {  	_ =	swait.ge [sflag:s9], $0x4000;
	s15 =	sand.u32 $0x60, s18  }
0xf: {  	s16 =	sand.u32 $0x1C00, s2;
	[sflag:s9] =	ssyncset.done $0x0;
	s19 =	sor.u32 $0x10, s15  }
0x10: {  	[sflag:s9] =	ssyncadd.s32 $0xFFFFC000;
	s17 =	sor.u32 s19, s16  }
0x11: {  	v1 =	vld [tilespmem:s17+$0x0]  }
0x12: {  	s20 =	sor.u32 s15, s16;
	v2 =	vld [tilespmem:s17+$0x80]  }
0x13: {  	v3 =	vld [tilespmem:s20+$0x0]  }
0x14: {  	v4 =	vld [tilespmem:s17+$0x100]  }
0x15: {  	v5 =	vld [tilespmem:s20+$0x80]  }
0x16: {  	v6 =	vld [tilespmem:s17+$0x180]  }
0x17: {  	v7 =	vld [tilespmem:s20+$0x100]  }
0x18: {  	v10 =	vld [tilespmem:s17+$0x200]  }
0x19: {  	v14 =	vld [tilespmem:s17+$0x280]  }
0x1a: {  	v15 =	vld [tilespmem:s17+$0x300];
	v8 =	vand.u32 $0x7FFFFFFF, v1  }
0x1b: {  	v9 =	vand.u32 $0x7FFFFFFF, v2;
	v11 =	vand.u32 $0x7FFFFFFF, v3;
	v12 =	vand.u32 $0x7FFFFFFF, v4  }
0x1c: {  	v13 =	vand.u32 $0x7FFFFFFF, v5;
	vm1 =	vgt.f32 v5, v3;
	v8 =	vadd.f32 v9, v8;
	v9 =	vld [tilespmem:s20+$0x180]  }
0x1d: {  	v34 =	vand.u32 $0x7FFFFFFF, v6;
	v35 =	vand.u32 $0x7FFFFFFF, v7;
	v36 =	vand.u32 $0x7FFFFFFF, v10  }
0x1e: {  	v11 =	vadd.f32 v13, v11;
	v3 =	vsel vm1, v5, v3;
	v5 =	vld [tilespmem:s20+$0x200];
	v8 =	vadd.f32 v12, v8  }
0x1f: {  	s21 =	sor.u32 $0x2000, s16;
	v16 =	vld [tilespmem:s17+$0x380];
	v38 =	vand.u32 $0x7FFFFFFF, v14;
	v40 =	vand.u32 $0x7FFFFFFF, v15;
	vm0 =	vgt.f32 v7, v3  }
0x20: {  	s23 =	sor.u32 s19, s21;
	v11 =	vadd.f32 v35, v11;
	v3 =	vsel vm0, v7, v3;
	v7 =	vld [tilespmem:s20+$0x280];
	v8 =	vadd.f32 v34, v8  }
0x21: {  	s16 =	sor.u32 $0x2080, s16;
	v17 =	vld [tilespmem:s23+$0x0];
	vm7 =	vgt.f32 v2, v1;
	v37 =	vand.u32 $0x7FFFFFFF, v9;
	vm2 =	vgt.f32 v9, v3  }
0x22: {  	s25 =	sor.u32 s15, s21;
	s24 =	sor.u32 s19, s16;
	v8 =	vadd.f32 v36, v8;
	v11 =	vadd.f32 v37, v11;
	v3 =	vsel vm2, v9, v3;
	v9 =	vld [tilespmem:s20+$0x300]  }
0x23: {  	v42 =	vld [tilespmem:s25+$0x0];
	s15 =	sor.u32 s15, s16;
	s16 =	simm.s32 $0x20;
	s17 =	simm.s32 $0x100;
	v1 =	vsel vm7, v2, v1;
	v39 =	vand.u32 $0x7FFFFFFF, v5;
	vm3 =	vgt.f32 v5, v3  }
0x24: {  	s26 =	sand.u32 $0x60, s16;
	s28 =	sand.u32 $0x1C00, s17;
	v8 =	vadd.f32 v38, v8;
	v11 =	vadd.f32 v39, v11;
	v3 =	vsel vm3, v5, v3;
	v5 =	vld [tilespmem:s20+$0x380]  }
0x25: {  	v18 =	vld [tilespmem:s24+$0x0];
	s22 =	sor.u32 s26, s28;
	v43 =	vand.u32 $0x7FFFFFFF, v16;
	vm4 =	vgt.f32 v4, v1;
	v41 =	vand.u32 $0x7FFFFFFF, v7  }
0x26: {  	v21 =	vld [tilespmem:s22+$0x300];
	v1 =	vsel vm4, v4, v1;
	v8 =	vadd.f32 v40, v8;
	v11 =	vadd.f32 v41, v11  }
0x27: {  	v44 =	vand.u32 $0x7FFFFFFF, v17;
	vm5 =	vgt.f32 v6, v1;
	v19 =	vand.u32 $0x7FFFFFFF, v9  }
0x28: {  	v2 =	vld [tilespmem:s15+$0x0];
	v1 =	vsel vm5, v6, v1;
	v8 =	vadd.f32 v43, v8;
	v11 =	vadd.f32 v19, v11  }
0x29: {  	v46 =	vand.u32 $0x7FFFFFFF, v42;
	vm8 =	vgt.f32 v10, v1;
	v45 =	vand.u32 $0x7FFFFFFF, v5  }
0x2a: {  	v1 =	vsel vm8, v10, v1;
	v4 =	vadd.f32 v44, v8;
	v8 =	vadd.f32 v45, v11  }
0x2b: {  	v22 =	vand.u32 $0x7FFFFFFF, v21;
	vm9 =	vgt.f32 v14, v1;
	v11 =	vand.u32 $0x7FFFFFFF, v18  }
0x2c: {  	vm6 =	vgt.f32 v7, v3;
	v4 =	vadd.f32 v11, v4;
	v6 =	vadd.f32 v46, v8  }
0x2d: {  	v10 =	vld [tilespmem:s22+$0x80];
	v1 =	vsel vm9, v14, v1;
	v3 =	vsel vm6, v7, v3;
	v8 =	vand.u32 $0x7FFFFFFF, v2  }
0x2e: {  	vm10 =	vgt.f32 v9, v3;
	v4 =	vmax.f32 v4, $9.999999960e-13;
	v6 =	vadd.f32 v8, v6  }
0x2f: {  	vm11 =	vgt.f32 v15, v1;
	v3 =	vsel vm10, v9, v3;
	(erf) = vrcp.f32 v4  }
0x30: {  	v7 =	vsel vm1, $0x3F800000, v0;
	vm1 =	vgt.f32 v5, v3;
	v6 =	vmax.f32 v6, $9.999999960e-13  }
0x31: {  	s15 =	sor.u32 $0x10, s26;
	v1 =	vsel vm11, v15, v1;
	v3 =	vsel vm1, v5, v3;
	(erf) = vrcp.f32 v6  }
0x32: {  	s23 =	sor.u32 s15, s28;
	v53 =	vand.u32 $0x7FFFFFFF, v10;
	v4 =	vsel vm7, $0x3F800000, v0;
	vm7 =	vgt.f32 v42, v3  }
0x33: {  	v5 =	vld [tilespmem:s23+$0x0];
	v4 =	vsel vm4, $0x40000000, v4;
	vm4 =	vgt.f32 v16, v1;
	v3 =	vsel vm7, v42, v3  }
0x34: {  	v6 =	vsel vm0, $0x40000000, v7;
	v1 =	vsel vm4, v16, v1;
	v4 =	vsel vm5, $0x40400000, v4;
	v7 =	vld [tilespmem:s23+$0x80]  }
0x35: {  	v9 =	vld [tilespmem:s23+$0x100];
	v6 =	vsel vm2, $0x40400000, v6;
	vm5 =	vgt.f32 v17, v1;
	v4 =	vsel vm8, $0x40800000, v4  }
0x36: {  	v8 =	vld [tilespmem:s22+$0x0];
	v1 =	vsel vm5, v17, v1;
	v6 =	vsel vm3, $0x40800000, v6;
	v4 =	vsel vm9, $0x40A00000, v4  }
0x37: {  	vm9 =	vgt.f32 v2, v3;
	vm8 =	vgt.f32 v18, v1;
	v6 =	vsel vm6, $0x40A00000, v6  }
0x38: {  	v47 =	vsel vm11, $0x40C00000, v4;
	v4 =	vld [tilespmem:s22+$0x100];
	v1 =	vsel vm8, v18, v1;
	v6 =	vsel vm10, $0x40C00000, v6;
	v11 =	vpop (erf)  }
0x39: {  	v48 =	vld [tilespmem:s23+$0x180];
	v49 =	vand.u32 $0x7FFFFFFF, v7;
	v11 =	vmul.f32 v1, v11;
	v1 =	vand.u32 $0x7FFFFFFF, v5  }
0x3a: {  	v2 =	vsel vm9, v2, v3;
	v51 =	vsel vm1, $0x40E00000, v6;
	v6 =	vld [tilespmem:s22+$0x180];
	v3 =	vpop (erf);
	v1 =	vadd.f32 v49, v1  }
0x3b: {  	v50 =	vld [tilespmem:s23+$0x200];
	v52 =	vmul.f32 v2, v3;
	v2 =	vand.u32 $0x7FFFFFFF, v9;
	v3 =	vand.u32 $0x7FFFFFFF, v8  }
0x3c: {  	v55 =	vld [tilespmem:s22+$0x200];
	vm0 =	vgt.f32 v10, v8;
	v1 =	vadd.f32 v2, v1;
	v2 =	vadd.f32 v53, v3  }
0x3d: {  	v54 =	vld [tilespmem:s23+$0x280];
	v12 =	vsel vm4, $0x40E00000, v47;
	v8 =	vsel vm0, v10, v8;
	v10 =	vand.u32 $0x7FFFFFFF, v4  }
0x3e: {  	v56 =	vld [tilespmem:s22+$0x280];
	v3 =	vand.u32 $0x7FFFFFFF, v48;
	vm1 =	vgt.f32 v4, v8;
	v10 =	vadd.f32 v10, v2  }
0x3f: {  	v4 =	vsel vm1, v4, v8;
	v8 =	vand.u32 $0x7FFFFFFF, v6;
	v3 =	vadd.f32 v3, v1;
	v1 =	vld [tilespmem:s23+$0x300]  }
0x40: {  	v2 =	vand.u32 $0x7FFFFFFF, v50;
	vm2 =	vgt.f32 v6, v4;
	v8 =	vadd.f32 v8, v10  }
0x41: {  	s24 =	sor.u32 $0x2000, s28;
	v4 =	vsel vm2, v6, v4;
	v6 =	vand.u32 $0x7FFFFFFF, v55;
	v20 =	vadd.f32 v2, v3;
	v2 =	vld [tilespmem:s23+$0x380]  }
0x42: {  	s29 =	sor.u32 s15, s24;
	v10 =	vand.u32 $0x7FFFFFFF, v54;
	vm3 =	vgt.f32 v55, v4;
	v8 =	vadd.f32 v6, v8;
	v6 =	vld [tilespmem:s22+$0x380]  }
0x43: {  	s21 =	sor.u32 $0x2080, s28;
	v3 =	vld [tilespmem:s29+$0x0];
	v17 =	vsel vm3, v55, v4;
	v4 =	vand.u32 $0x7FFFFFFF, v56;
	v10 =	vadd.f32 v10, v20  }
0x44: {  	s30 =	sor.u32 s15, s21;
	vm10 =	vgt.f32 v7, v5;
	v57 =	vand.u32 $0x7FFFFFFF, v1;
	v8 =	vadd.f32 v4, v8  }
0x45: {  	s31 =	sor.u32 s26, s24;
	v15 =	vsel vm7, $0x41000000, v51;
	v5 =	vsel vm10, v7, v5;
	v10 =	vadd.f32 v57, v10;
	v4 =	vld [tilespmem:s30+$0x0]  }
0x46: {  	v7 =	vld [tilespmem:s31+$0x0];
	vm6 =	vgt.f32 v9, v5;
	v58 =	vand.u32 $0x7FFFFFFF, v2;
	v8 =	vadd.f32 v22, v8  }
0x47: {  	s20 =	sor.u32 s26, s21;
	v9 =	vsel vm6, v9, v5;
	v10 =	vadd.f32 v58, v10;
	v5 =	vand.u32 $0x7FFFFFFF, v6  }
0x48: {  	vm7 =	vgt.f32 v48, v9;
	v59 =	vand.u32 $0x7FFFFFFF, v3;
	v8 =	vadd.f32 v5, v8;
	v5 =	vld [tilespmem:s20+$0x0]  }
0x49: {  	s18 =	sand.u32 $0x380, s18;
	v12 =	vsel vm5, $0x41000000, v12;
	v9 =	vsel vm7, v48, v9;
	v10 =	vadd.f32 v59, v10  }
0x4a: {  	s18 =	sor.u32 s18, s19;
	v15 =	vsel vm9, $0x41100000, v15;
	vm9 =	vgt.f32 v50, v9;
	v60 =	vand.u32 $0x7FFFFFFF, v4  }
0x4b: {  	[tilespmem:s18+$0x4000] =	vst v11;
	v61 =	vand.u32 $0x7FFFFFFF, v7;
	v11 =	vsel vm9, v50, v9;
	v10 =	vadd.f32 v60, v10  }
0x4c: {  	v12 =	vsel vm8, $0x41100000, v12;
	vm8 =	vgt.f32 v54, v11;
	v8 =	vadd.f32 v61, v8  }
0x4d: {  	vm4 =	vgt.f32 v56, v17;
	v10 =	vmax.f32 v10, $9.999999960e-13;
	v9 =	vand.u32 $0x7FFFFFFF, v5  }
0x4e: {  	[tilespmem:s18+$0x4400] =	vst v12;
	v62 =	vsel vm4, v56, v17;
	(erf) = vrcp.f32 v10;
	v63 =	vadd.f32 v9, v8  }
0x4f: {  	[tilespmem:s12+$0x0] =	vst v52;
	vm5 =	vgt.f32 v21, v62;
	v10 =	vsel vm8, v54, v11;
	v9 =	vsel vm10, $0x3F800000, v0  }
0x50: {  	s19 =	simm.s32 $0x4000;
	s18 =	simm.s32 $0x4400;
	[tilespmem:s13+$0x0] =	vst v15;
	s20 =	simm.s32 $0x20;
	v8 =	vsel vm5, v21, v62;
	vm10 =	vgt.f32 v1, v10;
	v11 =	vmax.f32 v63, $9.999999960e-13  }
.LBB2_2:
0x51: {  	s16 =	sadd.s32 $0x20, s16;
	v12 =	vsel vm0, $0x3F800000, v0;
	v1 =	vsel vm10, v1, v10;
	(erf) = vrcp.f32 v11  }
0x52: {  	vm0 =	vgt.f32 v6, v8;
	v9 =	vsel vm6, $0x40000000, v9;
	s17 =	sadd.s32 $0x100, s17;
	s21 =	sand.u32 $0x60, s16;
	p0 =	slt.u32 s16, $0x3E0;
	vm6 =	vgt.f32 v2, v1  }
0x53: {  	s22 =	sand.u32 $0x1C00, s17;
	v10 =	vsel vm1, $0x40000000, v12;
	v6 =	vsel vm0, v6, v8;
	s25 =	sor.u32 $0x10, s21;
	v1 =	vsel vm6, v2, v1  }
0x54: {  	v8 =	vsel vm7, $0x40400000, v9;
	s23 =	sor.u32 s21, s22;
	v2 =	vsel vm2, $0x40400000, v10;
	s24 =	sor.u32 s25, s22;
	vm7 =	vgt.f32 v3, v1  }
0x55: {  	vm1 =	vgt.f32 v7, v6;
	v8 =	vsel vm9, $0x40800000, v8;
	v9 =	vld [tilespmem:s24+$0x0];
	v1 =	vsel vm7, v3, v1  }
0x56: {  	v2 =	vsel vm3, $0x40800000, v2;
	v3 =	vsel vm1, v7, v6;
	v10 =	vld [tilespmem:s24+$0x80];
	vm2 =	vgt.f32 v4, v1  }
0x57: {  	v2 =	vsel vm4, $0x40A00000, v2;
	v7 =	vsel vm8, $0x40A00000, v8;
	v6 =	vld [tilespmem:s23+$0x0];
	v1 =	vsel vm2, v4, v1;
	v4 =	vpop (erf)  }
0x58: {  	s26 =	sand.u32 $0x380, s20;
	s20 =	smov.u32 s16;
	vm3 =	vgt.f32 v5, v3;
	v7 =	vsel vm10, $0x40C00000, v7;
	v8 =	vld [tilespmem:s24+$0x100];
	v12 =	vmul.f32 v1, v4  }
0x59: {  	s26 =	sor.u32 s26, s15;
	s15 =	smov.u32 s25;
	v2 =	vsel vm5, $0x40C00000, v2;
	v3 =	vsel vm3, v5, v3;
	v5 =	vsel vm6, $0x40E00000, v7;
	v4 =	vld [tilespmem:s23+$0x80]  }
0x5a: {  	v2 =	vsel vm0, $0x40E00000, v2;
	v5 =	vsel vm7, $0x41000000, v5;
	v11 =	vld [tilespmem:s24+$0x180];
	[tilespmem:s26+$0x4000] =	vst v12;
	v1 =	vpop (erf)  }
0x5b: {  	v12 =	vand.u32 $0x7FFFFFFF, v9;
	v7 =	vld [tilespmem:s23+$0x100];
	v13 =	vand.u32 $0x7FFFFFFF, v10;
	v1 =	vmul.f32 v3, v1  }
0x5c: {  	s19 =	sadd.s32 $0x20, s19;
	v2 =	vsel vm1, $0x41000000, v2;
	v3 =	vand.u32 $0x7FFFFFFF, v6;
	v12 =	vadd.f32 v13, v12;
	v13 =	vld [tilespmem:s24+$0x200]  }
0x5d: {  	s18 =	sadd.s32 $0x20, s18;
	v2 =	vsel vm3, $0x41100000, v2;
	v14 =	vld [tilespmem:s23+$0x180];
	v15 =	vand.u32 $0x7FFFFFFF, v8;
	[tilespmem:s19+$0x0] =	vst v1;
	v1 =	vsel vm2, $0x41100000, v5  }
0x5e: {  	v5 =	vand.u32 $0x7FFFFFFF, v4;
	vm0 =	vgt.f32 v4, v6;
	v12 =	vadd.f32 v15, v12;
	v15 =	vld [tilespmem:s24+$0x280];
	[tilespmem:s18+$0x0] =	vst v2  }
0x5f: {  	v2 =	vadd.f32 v5, v3;
	v3 =	vsel vm0, v4, v6;
	v4 =	vld [tilespmem:s23+$0x200];
	v5 =	vand.u32 $0x7FFFFFFF, v11;
	[tilespmem:s26+$0x4400] =	vst v1  }
0x60: {  	v6 =	vand.u32 $0x7FFFFFFF, v7;
	vm1 =	vgt.f32 v7, v3;
	v5 =	vadd.f32 v5, v12;
	v1 =	vld [tilespmem:s24+$0x300]  }
0x61: {  	v6 =	vadd.f32 v6, v2;
	v3 =	vsel vm1, v7, v3;
	v12 =	vld [tilespmem:s23+$0x280];
	v2 =	vand.u32 $0x7FFFFFFF, v13  }
0x62: {  	s25 =	sor.u32 $0x2000, s22;
	v7 =	vand.u32 $0x7FFFFFFF, v14;
	vm2 =	vgt.f32 v14, v3;
	v5 =	vadd.f32 v2, v5;
	v2 =	vld [tilespmem:s24+$0x380]  }
0x63: {  	s24 =	sor.u32 s21, s25;
	s25 =	sor.u32 s15, s25;
	v6 =	vadd.f32 v7, v6;
	v7 =	vsel vm2, v14, v3;
	v14 =	vld [tilespmem:s23+$0x300];
	v3 =	vand.u32 $0x7FFFFFFF, v15  }
0x64: {  	s22 =	sor.u32 $0x2080, s22;
	v16 =	vand.u32 $0x7FFFFFFF, v4;
	vm3 =	vgt.f32 v4, v7;
	v5 =	vadd.f32 v3, v5;
	v3 =	vld [tilespmem:s25+$0x0]  }
0x65: {  	s21 =	sor.u32 s21, s22;
	s22 =	sor.u32 s15, s22;
	v16 =	vadd.f32 v16, v6;
	v17 =	vsel vm3, v4, v7;
	v6 =	vld [tilespmem:s23+$0x380];
	v4 =	vand.u32 $0x7FFFFFFF, v1  }
0x66: {  	v7 =	vand.u32 $0x7FFFFFFF, v12;
	vm4 =	vgt.f32 v12, v17;
	v18 =	vadd.f32 v4, v5;
	v4 =	vld [tilespmem:s22+$0x0]  }
0x67: {  	vm10 =	vgt.f32 v10, v9;
	v16 =	vadd.f32 v7, v16;
	v7 =	vld [tilespmem:s24+$0x0];
	v19 =	vand.u32 $0x7FFFFFFF, v2  }
0x68: {  	v9 =	vsel vm10, v10, v9;
	v20 =	vand.u32 $0x7FFFFFFF, v14;
	v5 =	vld [tilespmem:s21+$0x0];
	v10 =	vadd.f32 v19, v18  }
0x69: {  	vm6 =	vgt.f32 v8, v9;
	v16 =	vadd.f32 v20, v16;
	v18 =	vand.u32 $0x7FFFFFFF, v3  }
0x6a: {  	v8 =	vsel vm6, v8, v9;
	v19 =	vand.u32 $0x7FFFFFFF, v6;
	v9 =	vadd.f32 v18, v10  }
0x6b: {  	vm7 =	vgt.f32 v11, v8;
	v10 =	vadd.f32 v19, v16;
	v16 =	vand.u32 $0x7FFFFFFF, v4  }
0x6c: {  	v8 =	vsel vm7, v11, v8;
	v18 =	vand.u32 $0x7FFFFFFF, v7;
	v9 =	vadd.f32 v16, v9  }
.Ltmp0:
0x6d: {  	vm9 =	vgt.f32 v13, v8;
	v10 =	vadd.f32 v18, v10;
	v11 =	vand.u32 $0x7FFFFFFF, v5;
	(pc) =	sbr.rel @p0 .LBB2_2-.Ltmp0, $4  }
0x6e: {  	v8 =	vsel vm9, v13, v8;
	v12 =	vsel vm4, v12, v17;
	v9 =	vmax.f32 v9, $9.999999960e-13  }
0x6f: {  	vm8 =	vgt.f32 v15, v8;
	v11 =	vadd.f32 v11, v10;
	(erf) = vrcp.f32 v9  }
0x70: {  	vm5 =	vgt.f32 v14, v12;
	v9 =	vsel vm10, $0x3F800000, v0;
	v10 =	vsel vm8, v15, v8  }
0x71: {  	v8 =	vsel vm5, v14, v12;
	vm10 =	vgt.f32 v1, v10;
	v11 =	vmax.f32 v11, $9.999999960e-13  }
0x72: {  	(erf) = vrcp.f32 v11;
	v56 =	vsel vm0, $0x3F800000, v0;
	v1 =	vsel vm10, v1, v10  }
0x73: {  	vm0 =	vgt.f32 v6, v8;
	v9 =	vsel vm6, $0x40000000, v9;
	vm11 =	vgt.f32 v2, v1  }
0x74: {  	v57 =	vsel vm1, $0x40000000, v56;
	v6 =	vsel vm0, v6, v8;
	v1 =	vsel vm11, v2, v1  }
0x75: {  	v58 =	vsel vm7, $0x40400000, v9;
	v2 =	vsel vm2, $0x40400000, v57;
	vm12 =	vgt.f32 v3, v1  }
0x76: {  	vm13 =	vgt.f32 v7, v6;
	v8 =	vsel vm9, $0x40800000, v58;
	v1 =	vsel vm12, v3, v1  }
0x77: {  	v2 =	vsel vm3, $0x40800000, v2;
	v59 =	vsel vm8, $0x40A00000, v8;
	vm14 =	vgt.f32 v4, v1  }
0x78: {  	v3 =	vsel vm13, v7, v6;
	v2 =	vsel vm4, $0x40A00000, v2;
	v1 =	vsel vm14, v4, v1;
	v60 =	vpop (erf)  }
0x79: {  	s16 =	sand.u32 $0x380, s20;
	v62 =	vsel vm10, $0x40C00000, v59;
	v2 =	vsel vm5, $0x40C00000, v2;
	v1 =	vmul.f32 v1, v60  }
0x7a: {  	s15 =	sor.u32 s16, s15;
	vm15 =	vgt.f32 v5, v3;
	v63 =	vsel vm11, $0x40E00000, v62;
	v2 =	vsel vm0, $0x40E00000, v2  }
0x7b: {  	v3 =	vsel vm15, v5, v3;
	v61 =	vpop (erf);
	[tilespmem:s15+$0x4000] =	vst v1;
	v1 =	vsel vm13, $0x41000000, v2;
	v2 =	vsel vm12, $0x41000000, v63  }
0x7c: {  	v3 =	vmul.f32 v3, v61;
	v2 =	vsel vm14, $0x41100000, v2  }
0x7d: {  	s30 =	sadd.s32 $0x20, s19;
	[tilespmem:s15+$0x4400] =	vst v2  }
0x7e: {  	s31 =	sadd.s32 $0x20, s18;
	v1 =	vsel vm15, $0x41100000, v1;
	[tilespmem:s30+$0x0] =	vst v3  }
0x7f: {  	[tilespmem:s31+$0x0] =	vst v1  }
0x80: {  	[hbm4b:s4+s10] =	stream.strided.scatter [tilespmem:s12], [sflag:$0x1], $0x400, s11, s10, $0x38;
	[tilespmem:$0x4800] =	vst v63  }
0x81: {  	s14 =	sadd.s32 $0x1, s14;
	_ =	swait.ge [sflag:s9], $0x400  }
0x82: {  	p0 =	sne.s32 s14, s6;
	[sflag:s9] =	ssyncset.done $0x0  }
.Ltmp1:
0x83: {  	[sflag:s9] =	ssyncadd.s32 $0xFFFFFC00;
	(pc) =	sbr.rel @p0 .LBB2_1-.Ltmp1, $4  }
0x84: {  	[hbm4b:s5+s10] =	stream.strided.scatter [tilespmem:s13], [sflag:$0x1], $0x400, s11, s10, $0x38;
	[tilespmem:$0x4800] =	vst v63  }
0x85: {  	_ =	swait.ge [sflag:s9], $0x400  }
0x86: {  	[sflag:s9] =	ssyncset.done $0x0  }
0x87: {  	[sflag:s9] =	ssyncadd.s32 $0xFFFFFC00  }
0x88: {  	_ =	sfence.sel $0x180000  }
0x89: {  	[bflag:$0x0] =	sbarrier.arrive $0xFFFF  }
0x8a: {  	p0 =	sne.s32 s1, $0x0;
	_ =	strace $0x90000047  }
0x8b: {  	s0 =	sadd.s32 @!p0 $0x100000, s0;
	[bflag:$0x2] =	sbarrier.arrive $0xFFFF  }
0x8c: {  	[sflag:s0] =	ssyncadd.tile.s32 @!p0 $0x1;
	_ =	shalt  }
.Lfunc_end2:
_tile_overlayer_lowered:
.L_overlay_start_2:
0x8d: {  	(tag) =	ssettag $0x2  }
0x8e: {  	s0 =	rddreg [dreg:$0x0];
	s2 =	stileid.u32  }
0x8f: {  	s1 =	rddreg [dreg:$0x1];
	p0 =	sne.s32 s2, $0x0  }
0x90: {  	s3 =	rddreg [dreg:$0x2];
	[bflag:$0x3] =	sbarrier.arrive $0xFFFF;
	s2 =	simm.s32 @!p0 $0x1C02  }
0x91: {  	[timem:s3], [sflag:s2] =	dma.local @!p0 [hbm:s0], s1  }
0x92: {  	s0 =	simm.s32 @!p0 $0x2  }
0x93: {  	_ =	swait.ge @!p0 [sflag:s0], s1  }
0x94: {  	s1 =	ssub.s32 @!p0 $0x0, s1;
	[sflag:s0] =	ssyncset.done @!p0 $0x0  }
0x95: {  	[sflag:s0] =	ssyncadd.s32 @!p0 s1  }
0x96: {  	[bflag:$0x3] =	sbarrier.arrive $0xFFFF  }
0x97: {  	_ =	shalt  }

</sc_bundles>
